<compile_context>
chip_gen: v7x
topology: tpu7x:2x2x1
jax: 0.10.2.dev20260603
libtpu: 0.0.44.dev20260713+nightly
codegen_flags: <defaults>
</compile_context>

<pallas_src>
import functools

import jax
import jax.numpy as jnp
from jax import lax
from jax.experimental import pallas as pl
from jax.experimental.pallas import tpu as pltpu
from jax.experimental.pallas import tpu_sc as plsc

N = 16384
C_IN = 64
C_OUT = 128
M = 4096
KNN = 16
BM = 256
NW = 32
SEG_PER_W = M // NW
ROWS_PER_W = SEG_PER_W * KNN
F32 = jnp.float32
I32 = jnp.int32


def _fps_body(pxs_ref, pys_ref, pzs_ref, px_ref, py_ref, pz_ref, qpad_ref):
    px = px_ref[...]
    py = py_ref[...]
    pz = pz_ref[...]
    row_i = lax.broadcasted_iota(I32, (128, 128), 0)
    col_i = lax.broadcasted_iota(I32, (128, 128), 1)
    flat = row_i * 128 + col_i
    lane = lax.broadcasted_iota(I32, (1, 128), 1)
    big_i = jnp.int32(2 ** 30)

    def emit_row(i, qx, qy, qz):
        r = jnp.where(lane == 0, qx,
                      jnp.where(lane == 1, qy,
                                jnp.where(lane == 2, qz, 0.0))).astype(F32)
        qpad_ref[pl.ds(i, 1), :] = r

    qx0 = pxs_ref[0]
    qy0 = pys_ref[0]
    qz0 = pzs_ref[0]
    emit_row(0, qx0, qy0, qz0)

    def body(i, carry):
        min_d, qx, qy, qz = carry
        dx = px - qx
        dy = py - qy
        dz = pz - qz
        d = (dx * dx + dz * dz) + dy * dy
        min_d = jnp.minimum(min_d, d)
        mx = jnp.max(min_d)
        idx = jnp.min(jnp.where(min_d == mx, flat, big_i))
        nqx = pxs_ref[idx]
        nqy = pys_ref[idx]
        nqz = pzs_ref[idx]
        emit_row(i, nqx, nqy, nqz)
        return (min_d, nqx, nqy, nqz)

    init = (jnp.full((128, 128), jnp.inf, F32), qx0, qy0, qz0)
    lax.fori_loop(1, M, body, init)


def _fps_call(px, py, pz):
    smem = pl.BlockSpec(memory_space=pltpu.SMEM)
    return pl.pallas_call(
        _fps_body,
        in_specs=[smem, smem, smem,
                  pl.BlockSpec((128, 128), lambda: (0, 0)),
                  pl.BlockSpec((128, 128), lambda: (0, 0)),
                  pl.BlockSpec((128, 128), lambda: (0, 0))],
        out_shape=jax.ShapeDtypeStruct((M, 128), F32),
    )(px.reshape(N), py.reshape(N), pz.reshape(N), px, py, pz)


CW = 1024
NCH = N // CW


def _knn_body(qpad_ref, pos_ref, pp_ref, nbrt_ref, d2t_ref):
    q = qpad_ref[...][:, :3]
    prod = lax.dot_general(pos_ref[...], q, (((1,), (1,)), ((), ())),
                           preferred_element_type=F32)
    d2t_ref[...] = pp_ref[...] - 2.0 * prod

    big_i = jnp.int32(2 ** 30)
    inf = jnp.float32(jnp.inf)
    sub = lax.broadcasted_iota(I32, (CW, BM), 0)

    def round_body(k, carry):
        dprev, iprev = carry

        def chunk_body(c, mc):
            mn, mi = mc
            blk = d2t_ref[pl.ds(c * CW, CW), :]
            gidx = sub + c * CW
            valid = (blk > dprev) | ((blk == dprev) & (gidx > iprev))
            cv = jnp.where(valid, blk, inf)
            bmn = jnp.min(cv, axis=0, keepdims=True)
            bmi = jnp.min(jnp.where(cv == bmn, gidx, big_i), axis=0,
                          keepdims=True)
            take = bmn < mn
            return (jnp.where(take, bmn, mn), jnp.where(take, bmi, mi))

        mn0 = jnp.full((1, BM), jnp.inf, F32)
        mi0 = jnp.full((1, BM), big_i, I32)
        mn, mi = lax.fori_loop(0, NCH, chunk_body, (mn0, mi0))
        nbrt_ref[pl.ds(k, 1), :] = mi
        return (mn, mi)

    init = (jnp.full((1, BM), -jnp.inf, F32), jnp.full((1, BM), -1, I32))
    lax.fori_loop(0, KNN, round_body, init)


def _knn_call(qpad, pos, pp):
    return pl.pallas_call(
        _knn_body,
        grid=(M // BM,),
        in_specs=[
            pl.BlockSpec((BM, 128), lambda i: (i, 0)),
            pl.BlockSpec((N, 3), lambda i: (0, 0)),
            pl.BlockSpec((N, 1), lambda i: (0, 0)),
        ],
        out_specs=pl.BlockSpec((KNN, BM), lambda i: (0, i)),
        out_shape=jax.ShapeDtypeStruct((KNN, M), I32),
        scratch_shapes=[pltpu.VMEM((N, BM), F32)],
    )(qpad, pos, pp)


def _g_body(pxc_ref, wt_ref, g_ref):
    g_ref[...] = jnp.dot(pxc_ref[...], wt_ref[...], preferred_element_type=F32)


def _g_call(pxc, wt):
    return pl.pallas_call(
        _g_body,
        out_shape=jax.ShapeDtypeStruct((N, C_OUT), F32),
    )(pxc, wt)


def _seg_body(g_hbm, col_hbm, omax, omin, osum, osumq,
              idx_v, rows_v, smax, smin, ssum, ssumq, sem):
    nc = 2
    wid = lax.axis_index("s") * nc + lax.axis_index("c")
    base = wid * ROWS_PER_W

    def chunk_body(ch, _):
        pltpu.sync_copy(col_hbm.at[pl.ds(base + ch * 128, 128)], idx_v)
        pltpu.async_copy(g_hbm.at[idx_v], rows_v, sem).wait()

        def seg_body(sj, _):
            def ch_group(c, _):
                co = c * 16
                r0 = sj * 16
                v = rows_v[r0, pl.ds(co, 16)]
                mx = v
                mn = v
                sm = v
                sq = v * v
                for j in range(1, KNN):
                    v = rows_v[r0 + j, pl.ds(co, 16)]
                    mx = jnp.maximum(mx, v)
                    mn = jnp.minimum(mn, v)
                    sm = sm + v
                    sq = sq + v * v
                seg = ch * 8 + sj
                smax[seg, pl.ds(co, 16)] = mx
                smin[seg, pl.ds(co, 16)] = mn
                ssum[seg, pl.ds(co, 16)] = sm
                ssumq[seg, pl.ds(co, 16)] = sq
                return _

            return lax.fori_loop(0, 8, ch_group, None)

        lax.fori_loop(0, 8, seg_body, None)
        return _

    lax.fori_loop(0, 16, chunk_body, None)
    ob = wid * SEG_PER_W
    pltpu.sync_copy(smax, omax.at[pl.ds(ob, SEG_PER_W)])
    pltpu.sync_copy(smin, omin.at[pl.ds(ob, SEG_PER_W)])
    pltpu.sync_copy(ssum, osum.at[pl.ds(ob, SEG_PER_W)])
    pltpu.sync_copy(ssumq, osumq.at[pl.ds(ob, SEG_PER_W)])


def _seg_call(g, col):
    mesh = plsc.VectorSubcoreMesh(core_axis_name="c", subcore_axis_name="s")
    f = functools.partial(
        pl.kernel,
        mesh=mesh,
        out_type=[jax.ShapeDtypeStruct((M, C_OUT), F32)] * 4,
        scratch_types=[
            pltpu.VMEM((128,), I32),
            pltpu.VMEM((128, C_OUT), F32),
            pltpu.VMEM((SEG_PER_W, C_OUT), F32),
            pltpu.VMEM((SEG_PER_W, C_OUT), F32),
            pltpu.VMEM((SEG_PER_W, C_OUT), F32),
            pltpu.VMEM((SEG_PER_W, C_OUT), F32),
            pltpu.SemaphoreType.DMA,
        ],
    )(_seg_body)
    return f(g, col)


def _fin_body(qpad_ref, w13_ref, maxg_ref, ming_ref, sumg_ref, sumq_ref,
              gamma_ref, beta_ref, out_ref):
    q = qpad_ref[...][:, :3]
    qw = jnp.dot(q, w13_ref[...], preferred_element_type=F32)
    maxh = maxg_ref[...] - qw
    minh = ming_ref[...] - qw
    s = sumg_ref[...]
    sq = sumq_ref[...]
    kf = jnp.float32(KNN)
    ntot = jnp.float32(M * KNN)
    tot = jnp.sum(s - kf * qw, axis=0, keepdims=True)
    mean = tot / ntot
    totsq = jnp.sum(sq - 2.0 * qw * s + kf * qw * qw, axis=0, keepdims=True)
    var = totsq / ntot - mean * mean
    rstd = lax.rsqrt(var + 1e-5)
    scale = gamma_ref[...] * rstd
    shift = beta_ref[...] - mean * scale
    ext = jnp.where(scale >= 0.0, maxh, minh)
    out_ref[...] = jnp.maximum(ext * scale + shift, 0.0)


def _fin_call(qpad, w13, omax, omin, osum, osumq, gamma, beta):
    return pl.pallas_call(
        _fin_body,
        out_shape=jax.ShapeDtypeStruct((M, C_OUT), F32),
    )(qpad, w13, omax, omin, osum, osumq, gamma, beta)


def kernel(pos, x, o, W, bn_gamma, bn_beta):
    pos = pos.astype(F32)
    x = x.astype(F32)
    px = pos[:, 0].reshape(128, 128)
    py = pos[:, 1].reshape(128, 128)
    pz = pos[:, 2].reshape(128, 128)
    qpad = _fps_call(px, py, pz)
    pp = jnp.sum(pos * pos, axis=1, keepdims=True)
    nbrt = _knn_call(qpad, pos, pp)
    pxc = jnp.concatenate([pos, x], axis=1)
    g = _g_call(pxc, W.T.astype(F32))
    col = nbrt.T.reshape(-1)
    omax, omin, osum, osumq = _seg_call(g, col)
    out = _fin_call(qpad, W[:, :3].T.astype(F32), omax, omin, osum, osumq,
                    bn_gamma.reshape(1, C_OUT), bn_beta.reshape(1, C_OUT))
    return (qpad[:, :3], out)

# --- scband reference (transcript-rebuilt; emitter-appended) ---
"""Pipeline reference for scband-transition-down-32169305047425 (READ-ONLY COPY).

The authoritative reference and input builder live on the scoring server;
editing this copy changes nothing except your own understanding.
"""

import jax, jax.numpy as jnp
import numpy as np

N = 16384
C_IN = 64
C_OUT = 128
RATIO = 0.25
K = 16
M = int(N * RATIO)


def setup_inputs(seed: int = 0) -> dict:
    key = jax.random.key(seed)
    k1, k2, k3 = jax.random.split(key, 3)
    pos = jax.random.normal(k1, (N, 3), dtype=jnp.float32)
    x = jax.random.normal(k2, (N, C_IN), dtype=jnp.float32)
    o = jnp.zeros((1,), dtype=jnp.int32)
    # learned params: linear weight [out, 3+in] (bias=False), BatchNorm gamma/beta
    W = jax.random.normal(k3, (C_OUT, 3 + C_IN), dtype=jnp.float32) * 0.05
    bn_gamma = jnp.ones((C_OUT,), dtype=jnp.float32)
    bn_beta = jnp.zeros((C_OUT,), dtype=jnp.float32)
    return {"pos": pos, "x": x, "o": o, "W": W, "bn_gamma": bn_gamma, "bn_beta": bn_beta}


def fps(pos, m):
    # farthest point sampling, deterministic start at index 0
    n = pos.shape[0]
    def body(i, state):
        min_d, sel = state
        last = sel[i - 1]
        d = jnp.sum((pos - pos[last]) ** 2, axis=1)
        min_d = jnp.minimum(min_d, d)
        sel = sel.at[i].set(jnp.argmax(min_d).astype(jnp.int32))
        return (min_d, sel)
    min_d = jnp.full((n,), jnp.inf, dtype=jnp.float32)
    sel = jnp.zeros((m,), dtype=jnp.int32)
    min_d, sel = jax.lax.fori_loop(1, m, body, (min_d, sel))
    return sel


def knn_idx(pos, q, k):
    # squared euclidean distances [M, N], k nearest per query
    d2 = jnp.sum(q ** 2, axis=1, keepdims=True) - 2.0 * (q @ pos.T) + jnp.sum(pos ** 2, axis=1)[None, :]
    _, idx = jax.lax.top_k(-d2, k)
    return idx


def reference(pos, x, o, W, bn_gamma, bn_beta):
    # stride != 1 branch of TransitionDown.forward
    sel = fps(pos, M)                      # id_clusters [M]
    q_pos = pos[sel]                       # pos[id_clusters]
    nbr = knn_idx(pos, q_pos, K)           # [M, K]
    row = jnp.repeat(jnp.arange(M, dtype=jnp.int32), K)  # id_k_neighbor[0]
    col = nbr.reshape(-1)                  # id_k_neighbor[1]
    relative_pos = pos[col] - q_pos[row]
    grouped_x = jnp.concatenate([relative_pos, x[col]], axis=1)  # [M*K, 3+C_IN]
    # MLP: Linear(bias=False) -> BatchNorm1d (training-mode batch stats) -> ReLU
    h = grouped_x @ W.T
    mean = jnp.mean(h, axis=0)
    var = jnp.var(h, axis=0)
    h = (h - mean) / jnp.sqrt(var + 1e-5) * bn_gamma + bn_beta
    h = jax.nn.relu(h)
    # scatter_max over centroid ids
    x_out = jax.ops.segment_max(h, row, num_segments=M)
    return (q_pos, x_out)

if __name__ == "__main__":
    import jax
    _d = setup_inputs()
    print(jax.jit(kernel)(*tuple(_d.values())))

</pallas_src>

<mosaic_0001>
#map = affine_map<(d0, d1) -> (0, 0)>
#map1 = affine_map<(d0, d1) -> (0)>
module attributes {stable_mosaic.version = 14 : i64} {
  func.func @_seg_body(%arg0: i32, %arg1: i32, %arg2: memref<16384x128xf32, #tpu.memory_space<hbm>>, %arg3: memref<65536xi32, #tpu.memory_space<hbm>>, %arg4: memref<4096x128xf32, #tpu.memory_space<hbm>>, %arg5: memref<4096x128xf32, #tpu.memory_space<hbm>>, %arg6: memref<4096x128xf32, #tpu.memory_space<hbm>>, %arg7: memref<4096x128xf32, #tpu.memory_space<hbm>>, %arg8: memref<128xi32, #tpu.memory_space<vmem>>, %arg9: memref<128x128xf32, #tpu.memory_space<vmem>>, %arg10: memref<128x128xf32, #tpu.memory_space<vmem>>, %arg11: memref<128x128xf32, #tpu.memory_space<vmem>>, %arg12: memref<128x128xf32, #tpu.memory_space<vmem>>, %arg13: memref<128x128xf32, #tpu.memory_space<vmem>>, %arg14: memref<!tpu.dma_semaphore, #tpu.memory_space<semaphore_mem>>) attributes {dimension_semantics = [#tpu.dimension_semantics<core_parallel>, #tpu.dimension_semantics<subcore_parallel>], iteration_bounds = array<i64: 2, 16>, scalar_prefetch = 0 : i64, scratch_operands = 7 : i64, tpu.core_type = #tpu.core_type<sc_vector_subcore>, window_params = [{transform_indices = #map}, {transform_indices = #map1}, {transform_indices = #map}, {transform_indices = #map}, {transform_indices = #map}, {transform_indices = #map}]} {
    %mul3A = arith.constant 2 : i32
    %mul3A_0 = arith.muli %arg1, %mul3A : i32
    %add3A = arith.addi %mul3A_0, %arg0 : i32
    %mul3A_1 = arith.constant 2048 : i32
    %mul3A_2 = arith.muli %add3A, %mul3A_1 : i32
    %scan3A = arith.constant 0 : i32
    %scan3A_3 = arith.constant 16 : i32
    %scan3A_4 = arith.addi %scan3A, %scan3A_3 : i32
    %scan3A_5 = arith.constant 1 : i32
    scf.for %scan3A_9 = %scan3A to %scan3A_4 step %scan3A_5  : i32 {
      %mul3A_10 = arith.constant 128 : i32
      %mul3A_11 = arith.muli %scan3A_9, %mul3A_10 : i32
      %add3A_12 = arith.addi %mul3A_2, %mul3A_11 : i32
      "tpu.region"() ({
        %run_scoped3A = tpu.sem_alloc : memref<!tpu.dma_semaphore, #tpu.memory_space<semaphore_mem>>
        %dma_start3A_22 = tpu.memref_slice %arg3[%add3A_12] : memref<65536xi32, #tpu.memory_space<hbm>> -> memref<128xi32, #tpu.memory_space<hbm>>
        %dma_start3A_23 = tpu.memref_slice %arg3[%add3A_12] : memref<65536xi32, #tpu.memory_space<hbm>> -> memref<128xi32, #tpu.memory_space<hbm>>
        tpu.enqueue_dma source(%dma_start3A_23 : memref<128xi32, #tpu.memory_space<hbm>>) target(%arg8 : memref<128xi32, #tpu.memory_space<vmem>>) target_semaphore(%run_scoped3A : memref<!tpu.dma_semaphore, #tpu.memory_space<semaphore_mem>>)
        %dma_wait3A_24 = tpu.memref_slice %arg3[%add3A_12] : memref<65536xi32, #tpu.memory_space<hbm>> -> memref<128xi32, #tpu.memory_space<hbm>>
        %dma_wait3A_25 = tpu.memref_slice %arg3[%add3A_12] : memref<65536xi32, #tpu.memory_space<hbm>> -> memref<128xi32, #tpu.memory_space<hbm>>
        tpu.wait_dma2 semaphore(%run_scoped3A : memref<!tpu.dma_semaphore, #tpu.memory_space<semaphore_mem>>) src(%dma_wait3A_25 : memref<128xi32, #tpu.memory_space<hbm>>) dst(%arg8 : memref<128xi32, #tpu.memory_space<vmem>>)
        tpu.yield
      }) : () -> ()
      %dma_start3A = arith.constant 0 : i32
      %dma_start3A_13 = arith.constant 0 : i32
      %dma_start3A_14 = tpu.memref_slice %arg2[%dma_start3A, %dma_start3A_13] : memref<16384x128xf32, #tpu.memory_space<hbm>> -> memref<16384x128xf32, #tpu.memory_space<hbm>>
      tpu.enqueue_indirect_dma source(%dma_start3A_14 : memref<16384x128xf32, #tpu.memory_space<hbm>>) target(%arg9 : memref<128x128xf32, #tpu.memory_space<vmem>>) offsets(%arg8 : memref<128xi32, #tpu.memory_space<vmem>>) semaphore(%arg14 : memref<!tpu.dma_semaphore, #tpu.memory_space<semaphore_mem>>)
      %dma_wait3A = arith.constant 0 : i32
      %dma_wait3A_15 = arith.constant 0 : i32
      %dma_wait3A_16 = tpu.memref_slice %arg2[%dma_wait3A, %dma_wait3A_15] : memref<16384x128xf32, #tpu.memory_space<hbm>> -> memref<16384x128xf32, #tpu.memory_space<hbm>>
      tpu.wait_indirect_dma semaphore(%arg14 : memref<!tpu.dma_semaphore, #tpu.memory_space<semaphore_mem>>) src(%dma_wait3A_16 : memref<16384x128xf32, #tpu.memory_space<hbm>>) dst(%arg9 : memref<128x128xf32, #tpu.memory_space<vmem>>)
      %scan3A_17 = arith.constant 0 : i32
      %scan3A_18 = arith.constant 8 : i32
      %scan3A_19 = arith.addi %scan3A_17, %scan3A_18 : i32
      %scan3A_20 = arith.constant 1 : i32
      scf.for %scan3A_22 = %scan3A_17 to %scan3A_19 step %scan3A_20  : i32 {
        %scan3A_23 = arith.constant 0 : i32
        %scan3A_24 = arith.constant 8 : i32
        %scan3A_25 = arith.addi %scan3A_23, %scan3A_24 : i32
        %scan3A_26 = arith.constant 1 : i32
        scf.for %scan3A_28 = %scan3A_23 to %scan3A_25 step %scan3A_26  : i32 {
          %mul3A_29 = arith.constant 16 : i32
          %mul3A_30 = arith.muli %scan3A_28, %mul3A_29 : i32
          %mul3A_31 = arith.constant 16 : i32
          %mul3A_32 = arith.muli %scan3A_22, %mul3A_31 : i32
          %get3A = arith.index_cast %mul3A_32 : i32 to index
          %get3A_33 = arith.index_cast %mul3A_30 : i32 to index
          %get3A_34 = tpu.vector_load %arg9[%get3A, %get3A_33] {strides = array<i32>} : memref<128x128xf32, #tpu.memory_space<vmem>>, vector<1x16xf32>,
          %get3A_35 = vector.shape_cast %get3A_34 : vector<1x16xf32> to vector<16xf32>
          %mul3A_36 = arith.mulf %get3A_35, %get3A_35 : vector<16xf32>
          %add3A_37 = arith.constant 1 : i32
          %add3A_38 = arith.addi %mul3A_32, %add3A_37 : i32
          %get3A_39 = arith.index_cast %add3A_38 : i32 to index
          %get3A_40 = arith.index_cast %mul3A_30 : i32 to index
          %get3A_41 = tpu.vector_load %arg9[%get3A_39, %get3A_40] {strides = array<i32>} : memref<128x128xf32, #tpu.memory_space<vmem>>, vector<1x16xf32>,
          %get3A_42 = vector.shape_cast %get3A_41 : vector<1x16xf32> to vector<16xf32>
          %max3A = arith.maximumf %get3A_35, %get3A_42 : vector<16xf32>
          %min3A = arith.minimumf %get3A_35, %get3A_42 : vector<16xf32>
          %add3A_43 = arith.addf %get3A_35, %get3A_42 : vector<16xf32>
          %mul3A_44 = arith.mulf %get3A_42, %get3A_42 : vector<16xf32>
          %add3A_45 = arith.addf %mul3A_36, %mul3A_44 : vector<16xf32>
          %add3A_46 = arith.constant 2 : i32
          %add3A_47 = arith.addi %mul3A_32, %add3A_46 : i32
          %get3A_48 = arith.index_cast %add3A_47 : i32 to index
          %get3A_49 = arith.index_cast %mul3A_30 : i32 to index
          %get3A_50 = tpu.vector_load %arg9[%get3A_48, %get3A_49] {strides = array<i32>} : memref<128x128xf32, #tpu.memory_space<vmem>>, vector<1x16xf32>,
          %get3A_51 = vector.shape_cast %get3A_50 : vector<1x16xf32> to vector<16xf32>
          %max3A_52 = arith.maximumf %max3A, %get3A_51 : vector<16xf32>
          %min3A_53 = arith.minimumf %min3A, %get3A_51 : vector<16xf32>
          %add3A_54 = arith.addf %add3A_43, %get3A_51 : vector<16xf32>
          %mul3A_55 = arith.mulf %get3A_51, %get3A_51 : vector<16xf32>
          %add3A_56 = arith.addf %add3A_45, %mul3A_55 : vector<16xf32>
          %add3A_57 = arith.constant 3 : i32
          %add3A_58 = arith.addi %mul3A_32, %add3A_57 : i32
          %get3A_59 = arith.index_cast %add3A_58 : i32 to index
          %get3A_60 = arith.index_cast %mul3A_30 : i32 to index
          %get3A_61 = tpu.vector_load %arg9[%get3A_59, %get3A_60] {strides = array<i32>} : memref<128x128xf32, #tpu.memory_space<vmem>>, vector<1x16xf32>,
          %get3A_62 = vector.shape_cast %get3A_61 : vector<1x16xf32> to vector<16xf32>
          %max3A_63 = arith.maximumf %max3A_52, %get3A_62 : vector<16xf32>
          %min3A_64 = arith.minimumf %min3A_53, %get3A_62 : vector<16xf32>
          %add3A_65 = arith.addf %add3A_54, %get3A_62 : vector<16xf32>
          %mul3A_66 = arith.mulf %get3A_62, %get3A_62 : vector<16xf32>
          %add3A_67 = arith.addf %add3A_56, %mul3A_66 : vector<16xf32>
          %add3A_68 = arith.constant 4 : i32
          %add3A_69 = arith.addi %mul3A_32, %add3A_68 : i32
          %get3A_70 = arith.index_cast %add3A_69 : i32 to index
          %get3A_71 = arith.index_cast %mul3A_30 : i32 to index
          %get3A_72 = tpu.vector_load %arg9[%get3A_70, %get3A_71] {strides = array<i32>} : memref<128x128xf32, #tpu.memory_space<vmem>>, vector<1x16xf32>,
          %get3A_73 = vector.shape_cast %get3A_72 : vector<1x16xf32> to vector<16xf32>
          %max3A_74 = arith.maximumf %max3A_63, %get3A_73 : vector<16xf32>
          %min3A_75 = arith.minimumf %min3A_64, %get3A_73 : vector<16xf32>
          %add3A_76 = arith.addf %add3A_65, %get3A_73 : vector<16xf32>
          %mul3A_77 = arith.mulf %get3A_73, %get3A_73 : vector<16xf32>
          %add3A_78 = arith.addf %add3A_67, %mul3A_77 : vector<16xf32>
          %add3A_79 = arith.constant 5 : i32
          %add3A_80 = arith.addi %mul3A_32, %add3A_79 : i32
          %get3A_81 = arith.index_cast %add3A_80 : i32 to index
          %get3A_82 = arith.index_cast %mul3A_30 : i32 to index
          %get3A_83 = tpu.vector_load %arg9[%get3A_81, %get3A_82] {strides = array<i32>} : memref<128x128xf32, #tpu.memory_space<vmem>>, vector<1x16xf32>,
          %get3A_84 = vector.shape_cast %get3A_83 : vector<1x16xf32> to vector<16xf32>
          %max3A_85 = arith.maximumf %max3A_74, %get3A_84 : vector<16xf32>
          %min3A_86 = arith.minimumf %min3A_75, %get3A_84 : vector<16xf32>
          %add3A_87 = arith.addf %add3A_76, %get3A_84 : vector<16xf32>
          %mul3A_88 = arith.mulf %get3A_84, %get3A_84 : vector<16xf32>
          %add3A_89 = arith.addf %add3A_78, %mul3A_88 : vector<16xf32>
          %add3A_90 = arith.constant 6 : i32
          %add3A_91 = arith.addi %mul3A_32, %add3A_90 : i32
          %get3A_92 = arith.index_cast %add3A_91 : i32 to index
          %get3A_93 = arith.index_cast %mul3A_30 : i32 to index
          %get3A_94 = tpu.vector_load %arg9[%get3A_92, %get3A_93] {strides = array<i32>} : memref<128x128xf32, #tpu.memory_space<vmem>>, vector<1x16xf32>,
          %get3A_95 = vector.shape_cast %get3A_94 : vector<1x16xf32> to vector<16xf32>
          %max3A_96 = arith.maximumf %max3A_85, %get3A_95 : vector<16xf32>
          %min3A_97 = arith.minimumf %min3A_86, %get3A_95 : vector<16xf32>
          %add3A_98 = arith.addf %add3A_87, %get3A_95 : vector<16xf32>
          %mul3A_99 = arith.mulf %get3A_95, %get3A_95 : vector<16xf32>
          %add3A_100 = arith.addf %add3A_89, %mul3A_99 : vector<16xf32>
          %add3A_101 = arith.constant 7 : i32
          %add3A_102 = arith.addi %mul3A_32, %add3A_101 : i32
          %get3A_103 = arith.index_cast %add3A_102 : i32 to index
          %get3A_104 = arith.index_cast %mul3A_30 : i32 to index
          %get3A_105 = tpu.vector_load %arg9[%get3A_103, %get3A_104] {strides = array<i32>} : memref<128x128xf32, #tpu.memory_space<vmem>>, vector<1x16xf32>,
          %get3A_106 = vector.shape_cast %get3A_105 : vector<1x16xf32> to vector<16xf32>
          %max3A_107 = arith.maximumf %max3A_96, %get3A_106 : vector<16xf32>
          %min3A_108 = arith.minimumf %min3A_97, %get3A_106 : vector<16xf32>
          %add3A_109 = arith.addf %add3A_98, %get3A_106 : vector<16xf32>
          %mul3A_110 = arith.mulf %get3A_106, %get3A_106 : vector<16xf32>
          %add3A_111 = arith.addf %add3A_100, %mul3A_110 : vector<16xf32>
          %add3A_112 = arith.constant 8 : i32
          %add3A_113 = arith.addi %mul3A_32, %add3A_112 : i32
          %get3A_114 = arith.index_cast %add3A_113 : i32 to index
          %get3A_115 = arith.index_cast %mul3A_30 : i32 to index
          %get3A_116 = tpu.vector_load %arg9[%get3A_114, %get3A_115] {strides = array<i32>} : memref<128x128xf32, #tpu.memory_space<vmem>>, vector<1x16xf32>,
          %get3A_117 = vector.shape_cast %get3A_116 : vector<1x16xf32> to vector<16xf32>
          %max3A_118 = arith.maximumf %max3A_107, %get3A_117 : vector<16xf32>
          %min3A_119 = arith.minimumf %min3A_108, %get3A_117 : vector<16xf32>
          %add3A_120 = arith.addf %add3A_109, %get3A_117 : vector<16xf32>
          %mul3A_121 = arith.mulf %get3A_117, %get3A_117 : vector<16xf32>
          %add3A_122 = arith.addf %add3A_111, %mul3A_121 : vector<16xf32>
          %add3A_123 = arith.constant 9 : i32
          %add3A_124 = arith.addi %mul3A_32, %add3A_123 : i32
          %get3A_125 = arith.index_cast %add3A_124 : i32 to index
          %get3A_126 = arith.index_cast %mul3A_30 : i32 to index
          %get3A_127 = tpu.vector_load %arg9[%get3A_125, %get3A_126] {strides = array<i32>} : memref<128x128xf32, #tpu.memory_space<vmem>>, vector<1x16xf32>,
          %get3A_128 = vector.shape_cast %get3A_127 : vector<1x16xf32> to vector<16xf32>
          %max3A_129 = arith.maximumf %max3A_118, %get3A_128 : vector<16xf32>
          %min3A_130 = arith.minimumf %min3A_119, %get3A_128 : vector<16xf32>
          %add3A_131 = arith.addf %add3A_120, %get3A_128 : vector<16xf32>
          %mul3A_132 = arith.mulf %get3A_128, %get3A_128 : vector<16xf32>
          %add3A_133 = arith.addf %add3A_122, %mul3A_132 : vector<16xf32>
          %add3A_134 = arith.constant 10 : i32
          %add3A_135 = arith.addi %mul3A_32, %add3A_134 : i32
          %get3A_136 = arith.index_cast %add3A_135 : i32 to index
          %get3A_137 = arith.index_cast %mul3A_30 : i32 to index
          %get3A_138 = tpu.vector_load %arg9[%get3A_136, %get3A_137] {strides = array<i32>} : memref<128x128xf32, #tpu.memory_space<vmem>>, vector<1x16xf32>,
          %get3A_139 = vector.shape_cast %get3A_138 : vector<1x16xf32> to vector<16xf32>
          %max3A_140 = arith.maximumf %max3A_129, %get3A_139 : vector<16xf32>
          %min3A_141 = arith.minimumf %min3A_130, %get3A_139 : vector<16xf32>
          %add3A_142 = arith.addf %add3A_131, %get3A_139 : vector<16xf32>
          %mul3A_143 = arith.mulf %get3A_139, %get3A_139 : vector<16xf32>
          %add3A_144 = arith.addf %add3A_133, %mul3A_143 : vector<16xf32>
          %add3A_145 = arith.constant 11 : i32
          %add3A_146 = arith.addi %mul3A_32, %add3A_145 : i32
          %get3A_147 = arith.index_cast %add3A_146 : i32 to index
          %get3A_148 = arith.index_cast %mul3A_30 : i32 to index
          %get3A_149 = tpu.vector_load %arg9[%get3A_147, %get3A_148] {strides = array<i32>} : memref<128x128xf32, #tpu.memory_space<vmem>>, vector<1x16xf32>,
          %get3A_150 = vector.shape_cast %get3A_149 : vector<1x16xf32> to vector<16xf32>
          %max3A_151 = arith.maximumf %max3A_140, %get3A_150 : vector<16xf32>
          %min3A_152 = arith.minimumf %min3A_141, %get3A_150 : vector<16xf32>
          %add3A_153 = arith.addf %add3A_142, %get3A_150 : vector<16xf32>
          %mul3A_154 = arith.mulf %get3A_150, %get3A_150 : vector<16xf32>
          %add3A_155 = arith.addf %add3A_144, %mul3A_154 : vector<16xf32>
          %add3A_156 = arith.constant 12 : i32
          %add3A_157 = arith.addi %mul3A_32, %add3A_156 : i32
          %get3A_158 = arith.index_cast %add3A_157 : i32 to index
          %get3A_159 = arith.index_cast %mul3A_30 : i32 to index
          %get3A_160 = tpu.vector_load %arg9[%get3A_158, %get3A_159] {strides = array<i32>} : memref<128x128xf32, #tpu.memory_space<vmem>>, vector<1x16xf32>,
          %get3A_161 = vector.shape_cast %get3A_160 : vector<1x16xf32> to vector<16xf32>
          %max3A_162 = arith.maximumf %max3A_151, %get3A_161 : vector<16xf32>
          %min3A_163 = arith.minimumf %min3A_152, %get3A_161 : vector<16xf32>
          %add3A_164 = arith.addf %add3A_153, %get3A_161 : vector<16xf32>
          %mul3A_165 = arith.mulf %get3A_161, %get3A_161 : vector<16xf32>
          %add3A_166 = arith.addf %add3A_155, %mul3A_165 : vector<16xf32>
          %add3A_167 = arith.constant 13 : i32
          %add3A_168 = arith.addi %mul3A_32, %add3A_167 : i32
          %get3A_169 = arith.index_cast %add3A_168 : i32 to index
          %get3A_170 = arith.index_cast %mul3A_30 : i32 to index
          %get3A_171 = tpu.vector_load %arg9[%get3A_169, %get3A_170] {strides = array<i32>} : memref<128x128xf32, #tpu.memory_space<vmem>>, vector<1x16xf32>,
          %get3A_172 = vector.shape_cast %get3A_171 : vector<1x16xf32> to vector<16xf32>
          %max3A_173 = arith.maximumf %max3A_162, %get3A_172 : vector<16xf32>
          %min3A_174 = arith.minimumf %min3A_163, %get3A_172 : vector<16xf32>
          %add3A_175 = arith.addf %add3A_164, %get3A_172 : vector<16xf32>
          %mul3A_176 = arith.mulf %get3A_172, %get3A_172 : vector<16xf32>
          %add3A_177 = arith.addf %add3A_166, %mul3A_176 : vector<16xf32>
          %add3A_178 = arith.constant 14 : i32
          %add3A_179 = arith.addi %mul3A_32, %add3A_178 : i32
          %get3A_180 = arith.index_cast %add3A_179 : i32 to index
          %get3A_181 = arith.index_cast %mul3A_30 : i32 to index
          %get3A_182 = tpu.vector_load %arg9[%get3A_180, %get3A_181] {strides = array<i32>} : memref<128x128xf32, #tpu.memory_space<vmem>>, vector<1x16xf32>,
          %get3A_183 = vector.shape_cast %get3A_182 : vector<1x16xf32> to vector<16xf32>
          %max3A_184 = arith.maximumf %max3A_173, %get3A_183 : vector<16xf32>
          %min3A_185 = arith.minimumf %min3A_174, %get3A_183 : vector<16xf32>
          %add3A_186 = arith.addf %add3A_175, %get3A_183 : vector<16xf32>
          %mul3A_187 = arith.mulf %get3A_183, %get3A_183 : vector<16xf32>
          %add3A_188 = arith.addf %add3A_177, %mul3A_187 : vector<16xf32>
          %add3A_189 = arith.constant 15 : i32
          %add3A_190 = arith.addi %mul3A_32, %add3A_189 : i32
          %get3A_191 = arith.index_cast %add3A_190 : i32 to index
          %get3A_192 = arith.index_cast %mul3A_30 : i32 to index
          %get3A_193 = tpu.vector_load %arg9[%get3A_191, %get3A_192] {strides = array<i32>} : memref<128x128xf32, #tpu.memory_space<vmem>>, vector<1x16xf32>,
          %get3A_194 = vector.shape_cast %get3A_193 : vector<1x16xf32> to vector<16xf32>
          %max3A_195 = arith.maximumf %max3A_184, %get3A_194 : vector<16xf32>
          %min3A_196 = arith.minimumf %min3A_185, %get3A_194 : vector<16xf32>
          %add3A_197 = arith.addf %add3A_186, %get3A_194 : vector<16xf32>
          %mul3A_198 = arith.mulf %get3A_194, %get3A_194 : vector<16xf32>
          %add3A_199 = arith.addf %add3A_188, %mul3A_198 : vector<16xf32>
          %mul3A_200 = arith.constant 8 : i32
          %mul3A_201 = arith.muli %scan3A_9, %mul3A_200 : i32
          %add3A_202 = arith.addi %mul3A_201, %scan3A_22 : i32
          %swap3A = arith.index_cast %add3A_202 : i32 to index
          %swap3A_203 = arith.index_cast %mul3A_30 : i32 to index
          %swap3A_204 = tpu.vector_load %arg10[%swap3A, %swap3A_203] {strides = array<i32>} : memref<128x128xf32, #tpu.memory_space<vmem>>, vector<1x16xf32>,
          %swap3A_205 = vector.shape_cast %swap3A_204 : vector<1x16xf32> to vector<16xf32>
          %swap3A_206 = vector.shape_cast %max3A_195 : vector<16xf32> to vector<1x16xf32>
          tpu.vector_store %arg10[%swap3A, %swap3A_203], %swap3A_206 {strides = array<i32>} : memref<128x128xf32, #tpu.memory_space<vmem>>, vector<1x16xf32>,
          %swap3A_207 = arith.index_cast %add3A_202 : i32 to index
          %swap3A_208 = arith.index_cast %mul3A_30 : i32 to index
          %swap3A_209 = tpu.vector_load %arg11[%swap3A_207, %swap3A_208] {strides = array<i32>} : memref<128x128xf32, #tpu.memory_space<vmem>>, vector<1x16xf32>,
          %swap3A_210 = vector.shape_cast %swap3A_209 : vector<1x16xf32> to vector<16xf32>
          %swap3A_211 = vector.shape_cast %min3A_196 : vector<16xf32> to vector<1x16xf32>
          tpu.vector_store %arg11[%swap3A_207, %swap3A_208], %swap3A_211 {strides = array<i32>} : memref<128x128xf32, #tpu.memory_space<vmem>>, vector<1x16xf32>,
          %swap3A_212 = arith.index_cast %add3A_202 : i32 to index
          %swap3A_213 = arith.index_cast %mul3A_30 : i32 to index
          %swap3A_214 = tpu.vector_load %arg12[%swap3A_212, %swap3A_213] {strides = array<i32>} : memref<128x128xf32, #tpu.memory_space<vmem>>, vector<1x16xf32>,
          %swap3A_215 = vector.shape_cast %swap3A_214 : vector<1x16xf32> to vector<16xf32>
          %swap3A_216 = vector.shape_cast %add3A_197 : vector<16xf32> to vector<1x16xf32>
          tpu.vector_store %arg12[%swap3A_212, %swap3A_213], %swap3A_216 {strides = array<i32>} : memref<128x128xf32, #tpu.memory_space<vmem>>, vector<1x16xf32>,
          %swap3A_217 = arith.index_cast %add3A_202 : i32 to index
          %swap3A_218 = arith.index_cast %mul3A_30 : i32 to index
          %swap3A_219 = tpu.vector_load %arg13[%swap3A_217, %swap3A_218] {strides = array<i32>} : memref<128x128xf32, #tpu.memory_space<vmem>>, vector<1x16xf32>,
          %swap3A_220 = vector.shape_cast %swap3A_219 : vector<1x16xf32> to vector<16xf32>
          %swap3A_221 = vector.shape_cast %add3A_199 : vector<16xf32> to vector<1x16xf32>
          tpu.vector_store %arg13[%swap3A_217, %swap3A_218], %swap3A_221 {strides = array<i32>} : memref<128x128xf32, #tpu.memory_space<vmem>>, vector<1x16xf32>,
        }
        %scan3A_27 = arith.constant 8 : i32
      }
      %scan3A_21 = arith.constant 8 : i32
    }
    %scan3A_6 = arith.constant 16 : i32
    %mul3A_7 = arith.constant 128 : i32
    %mul3A_8 = arith.muli %add3A, %mul3A_7 : i32
    "tpu.region"() ({
      %run_scoped3A = tpu.sem_alloc : memref<!tpu.dma_semaphore, #tpu.memory_space<semaphore_mem>>
      %dma_start3A = arith.constant 0 : i32
      %dma_start3A_9 = tpu.memref_slice %arg4[%mul3A_8, %dma_start3A] : memref<4096x128xf32, #tpu.memory_space<hbm>> -> memref<128x128xf32, #tpu.memory_space<hbm>>
      %dma_start3A_10 = arith.constant 0 : i32
      %dma_start3A_11 = tpu.memref_slice %arg4[%mul3A_8, %dma_start3A_10] : memref<4096x128xf32, #tpu.memory_space<hbm>> -> memref<128x128xf32, #tpu.memory_space<hbm>>
      tpu.enqueue_dma source(%arg10 : memref<128x128xf32, #tpu.memory_space<vmem>>) target(%dma_start3A_11 : memref<128x128xf32, #tpu.memory_space<hbm>>) target_semaphore(%run_scoped3A : memref<!tpu.dma_semaphore, #tpu.memory_space<semaphore_mem>>)
      %dma_wait3A = arith.constant 0 : i32
      %dma_wait3A_12 = tpu.memref_slice %arg4[%mul3A_8, %dma_wait3A] : memref<4096x128xf32, #tpu.memory_space<hbm>> -> memref<128x128xf32, #tpu.memory_space<hbm>>
      %dma_wait3A_13 = arith.constant 0 : i32
      %dma_wait3A_14 = tpu.memref_slice %arg4[%mul3A_8, %dma_wait3A_13] : memref<4096x128xf32, #tpu.memory_space<hbm>> -> memref<128x128xf32, #tpu.memory_space<hbm>>
      tpu.wait_dma2 semaphore(%run_scoped3A : memref<!tpu.dma_semaphore, #tpu.memory_space<semaphore_mem>>) src(%arg10 : memref<128x128xf32, #tpu.memory_space<vmem>>) dst(%dma_wait3A_14 : memref<128x128xf32, #tpu.memory_space<hbm>>)
      tpu.yield
    }) : () -> ()
    "tpu.region"() ({
      %run_scoped3A = tpu.sem_alloc : memref<!tpu.dma_semaphore, #tpu.memory_space<semaphore_mem>>
      %dma_start3A = arith.constant 0 : i32
      %dma_start3A_9 = tpu.memref_slice %arg5[%mul3A_8, %dma_start3A] : memref<4096x128xf32, #tpu.memory_space<hbm>> -> memref<128x128xf32, #tpu.memory_space<hbm>>
      %dma_start3A_10 = arith.constant 0 : i32
      %dma_start3A_11 = tpu.memref_slice %arg5[%mul3A_8, %dma_start3A_10] : memref<4096x128xf32, #tpu.memory_space<hbm>> -> memref<128x128xf32, #tpu.memory_space<hbm>>
      tpu.enqueue_dma source(%arg11 : memref<128x128xf32, #tpu.memory_space<vmem>>) target(%dma_start3A_11 : memref<128x128xf32, #tpu.memory_space<hbm>>) target_semaphore(%run_scoped3A : memref<!tpu.dma_semaphore, #tpu.memory_space<semaphore_mem>>)
      %dma_wait3A = arith.constant 0 : i32
      %dma_wait3A_12 = tpu.memref_slice %arg5[%mul3A_8, %dma_wait3A] : memref<4096x128xf32, #tpu.memory_space<hbm>> -> memref<128x128xf32, #tpu.memory_space<hbm>>
      %dma_wait3A_13 = arith.constant 0 : i32
      %dma_wait3A_14 = tpu.memref_slice %arg5[%mul3A_8, %dma_wait3A_13] : memref<4096x128xf32, #tpu.memory_space<hbm>> -> memref<128x128xf32, #tpu.memory_space<hbm>>
      tpu.wait_dma2 semaphore(%run_scoped3A : memref<!tpu.dma_semaphore, #tpu.memory_space<semaphore_mem>>) src(%arg11 : memref<128x128xf32, #tpu.memory_space<vmem>>) dst(%dma_wait3A_14 : memref<128x128xf32, #tpu.memory_space<hbm>>)
      tpu.yield
    }) : () -> ()
    "tpu.region"() ({
      %run_scoped3A = tpu.sem_alloc : memref<!tpu.dma_semaphore, #tpu.memory_space<semaphore_mem>>
      %dma_start3A = arith.constant 0 : i32
      %dma_start3A_9 = tpu.memref_slice %arg6[%mul3A_8, %dma_start3A] : memref<4096x128xf32, #tpu.memory_space<hbm>> -> memref<128x128xf32, #tpu.memory_space<hbm>>
      %dma_start3A_10 = arith.constant 0 : i32
      %dma_start3A_11 = tpu.memref_slice %arg6[%mul3A_8, %dma_start3A_10] : memref<4096x128xf32, #tpu.memory_space<hbm>> -> memref<128x128xf32, #tpu.memory_space<hbm>>
      tpu.enqueue_dma source(%arg12 : memref<128x128xf32, #tpu.memory_space<vmem>>) target(%dma_start3A_11 : memref<128x128xf32, #tpu.memory_space<hbm>>) target_semaphore(%run_scoped3A : memref<!tpu.dma_semaphore, #tpu.memory_space<semaphore_mem>>)
      %dma_wait3A = arith.constant 0 : i32
      %dma_wait3A_12 = tpu.memref_slice %arg6[%mul3A_8, %dma_wait3A] : memref<4096x128xf32, #tpu.memory_space<hbm>> -> memref<128x128xf32, #tpu.memory_space<hbm>>
      %dma_wait3A_13 = arith.constant 0 : i32
      %dma_wait3A_14 = tpu.memref_slice %arg6[%mul3A_8, %dma_wait3A_13] : memref<4096x128xf32, #tpu.memory_space<hbm>> -> memref<128x128xf32, #tpu.memory_space<hbm>>
      tpu.wait_dma2 semaphore(%run_scoped3A : memref<!tpu.dma_semaphore, #tpu.memory_space<semaphore_mem>>) src(%arg12 : memref<128x128xf32, #tpu.memory_space<vmem>>) dst(%dma_wait3A_14 : memref<128x128xf32, #tpu.memory_space<hbm>>)
      tpu.yield
    }) : () -> ()
    "tpu.region"() ({
      %run_scoped3A = tpu.sem_alloc : memref<!tpu.dma_semaphore, #tpu.memory_space<semaphore_mem>>
      %dma_start3A = arith.constant 0 : i32
      %dma_start3A_9 = tpu.memref_slice %arg7[%mul3A_8, %dma_start3A] : memref<4096x128xf32, #tpu.memory_space<hbm>> -> memref<128x128xf32, #tpu.memory_space<hbm>>
      %dma_start3A_10 = arith.constant 0 : i32
      %dma_start3A_11 = tpu.memref_slice %arg7[%mul3A_8, %dma_start3A_10] : memref<4096x128xf32, #tpu.memory_space<hbm>> -> memref<128x128xf32, #tpu.memory_space<hbm>>
      tpu.enqueue_dma source(%arg13 : memref<128x128xf32, #tpu.memory_space<vmem>>) target(%dma_start3A_11 : memref<128x128xf32, #tpu.memory_space<hbm>>) target_semaphore(%run_scoped3A : memref<!tpu.dma_semaphore, #tpu.memory_space<semaphore_mem>>)
      %dma_wait3A = arith.constant 0 : i32
      %dma_wait3A_12 = tpu.memref_slice %arg7[%mul3A_8, %dma_wait3A] : memref<4096x128xf32, #tpu.memory_space<hbm>> -> memref<128x128xf32, #tpu.memory_space<hbm>>
      %dma_wait3A_13 = arith.constant 0 : i32
      %dma_wait3A_14 = tpu.memref_slice %arg7[%mul3A_8, %dma_wait3A_13] : memref<4096x128xf32, #tpu.memory_space<hbm>> -> memref<128x128xf32, #tpu.memory_space<hbm>>
      tpu.wait_dma2 semaphore(%run_scoped3A : memref<!tpu.dma_semaphore, #tpu.memory_space<semaphore_mem>>) src(%arg13 : memref<128x128xf32, #tpu.memory_space<vmem>>) dst(%dma_wait3A_14 : memref<128x128xf32, #tpu.memory_space<hbm>>)
      tpu.yield
    }) : () -> ()
    return
  }
}

module attributes {stable_mosaic.version = 14 : i64} {
  func.func @_fps_body(%arg0: memref<16384xf32, #tpu.memory_space<smem>>, %arg1: memref<16384xf32, #tpu.memory_space<smem>>, %arg2: memref<16384xf32, #tpu.memory_space<smem>>, %arg3: memref<128x128xf32, #tpu.memory_space<vmem>>, %arg4: memref<128x128xf32, #tpu.memory_space<vmem>>, %arg5: memref<128x128xf32, #tpu.memory_space<vmem>>, %arg6: memref<4096x128xf32, #tpu.memory_space<vmem>>) attributes {dimension_semantics = [], scalar_prefetch = 0 : i64, scratch_operands = 0 : i64, tpu.core_type = #tpu.core_type<tc>} {
    %get3A = arith.constant 0 : index
    %get3A_0 = arith.constant 0 : index
    %get3A_1 = vector.load %arg3[%get3A, %get3A_0] : memref<128x128xf32, #tpu.memory_space<vmem>>, vector<128x128xf32>
    %get3A_2 = arith.constant 0 : index
    %get3A_3 = arith.constant 0 : index
    %get3A_4 = vector.load %arg4[%get3A_2, %get3A_3] : memref<128x128xf32, #tpu.memory_space<vmem>>, vector<128x128xf32>
    %get3A_5 = arith.constant 0 : index
    %get3A_6 = arith.constant 0 : index
    %get3A_7 = vector.load %arg5[%get3A_5, %get3A_6] : memref<128x128xf32, #tpu.memory_space<vmem>>, vector<128x128xf32>
    %iota3A = tpu.iota {dimensions = array<i32: 0>} : vector<128x128xi32>
    %iota3A_8 = tpu.iota {dimensions = array<i32: 1>} : vector<128x128xi32>
    %mul3A = arith.constant 128 : i32
    %mul3A_9 = vector.broadcast %mul3A : i32 to vector<128x128xi32>
    %mul3A_10 = arith.muli %iota3A, %mul3A_9 : vector<128x128xi32>
    %add3A = arith.addi %mul3A_10, %iota3A_8 : vector<128x128xi32>
    %iota3A_11 = tpu.iota {dimensions = array<i32: 1>} : vector<1x128xi32>
    %get3A_12 = arith.constant 0 : index
    %get3A_13 = memref.load %arg0[%get3A_12] : memref<16384xf32, #tpu.memory_space<smem>>
    %get3A_14 = arith.constant 0 : index
    %get3A_15 = memref.load %arg1[%get3A_14] : memref<16384xf32, #tpu.memory_space<smem>>
    %get3A_16 = arith.constant 0 : index
    %get3A_17 = memref.load %arg2[%get3A_16] : memref<16384xf32, #tpu.memory_space<smem>>
    %eq3A = arith.constant 0 : i32
    %eq3A_18 = vector.broadcast %eq3A : i32 to vector<1x128xi32>
    %eq3A_19 = arith.cmpi eq, %iota3A_11, %eq3A_18 : vector<1x128xi32>
    %eq3A_20 = arith.constant 1 : i32
    %eq3A_21 = vector.broadcast %eq3A_20 : i32 to vector<1x128xi32>
    %eq3A_22 = arith.cmpi eq, %iota3A_11, %eq3A_21 : vector<1x128xi32>
    %eq3A_23 = arith.constant 2 : i32
    %eq3A_24 = vector.broadcast %eq3A_23 : i32 to vector<1x128xi32>
    %eq3A_25 = arith.cmpi eq, %iota3A_11, %eq3A_24 : vector<1x128xi32>
    %jit3A = arith.constant 0.000000e+00 : f32
    %broadcast_in_dim3A = vector.broadcast %get3A_17 : f32 to vector<1x128xf32>
    %broadcast_in_dim3A_26 = vector.broadcast %jit3A : f32 to vector<1x128xf32>
    %select_n3A = arith.select %eq3A_25, %broadcast_in_dim3A, %broadcast_in_dim3A_26 : vector<1x128xi1>, vector<1x128xf32>
    %broadcast_in_dim3A_27 = vector.broadcast %get3A_15 : f32 to vector<1x128xf32>
    %select_n3A_28 = arith.select %eq3A_22, %broadcast_in_dim3A_27, %select_n3A : vector<1x128xi1>, vector<1x128xf32>
    %broadcast_in_dim3A_29 = vector.broadcast %get3A_13 : f32 to vector<1x128xf32>
    %select_n3A_30 = arith.select %eq3A_19, %broadcast_in_dim3A_29, %select_n3A_28 : vector<1x128xi1>, vector<1x128xf32>
    %swap3A = arith.constant 0 : index
    %swap3A_31 = arith.constant 0 : index
    %swap3A_32 = vector.load %arg6[%swap3A, %swap3A_31] : memref<4096x128xf32, #tpu.memory_space<vmem>>, vector<1x128xf32>
    tpu.vector_store %arg6[%swap3A, %swap3A_31], %select_n3A_30 {strides = array<i32>} : memref<4096x128xf32, #tpu.memory_space<vmem>>, vector<1x128xf32>,
    %broadcast_in_dim3A_33 = arith.constant 0x7F800000 : f32
    %broadcast_in_dim3A_34 = vector.broadcast %broadcast_in_dim3A_33 : f32 to vector<128x128xf32>
    %scan3A = arith.constant 1073741824 : i32
    %scan3A_35 = arith.constant 1 : i32
    %scan3A_36 = arith.constant 4095 : i32
    %scan3A_37 = arith.addi %scan3A_35, %scan3A_36 : i32
    %scan3A_38 = arith.constant 1 : i32
    %scan3A_39:4 = scf.for %scan3A_41 = %scan3A_35 to %scan3A_37 step %scan3A_38 iter_args(%scan3A_42 = %broadcast_in_dim3A_34, %scan3A_43 = %get3A_13, %scan3A_44 = %get3A_15, %scan3A_45 = %get3A_17) -> (vector<128x128xf32>, f32, f32, f32)  : i32 {
      %sub3A = vector.broadcast %scan3A_43 : f32 to vector<128x128xf32>
      %sub3A_46 = arith.subf %get3A_1, %sub3A : vector<128x128xf32>
      %sub3A_47 = vector.broadcast %scan3A_44 : f32 to vector<128x128xf32>
      %sub3A_48 = arith.subf %get3A_4, %sub3A_47 : vector<128x128xf32>
      %sub3A_49 = vector.broadcast %scan3A_45 : f32 to vector<128x128xf32>
      %sub3A_50 = arith.subf %get3A_7, %sub3A_49 : vector<128x128xf32>
      %mul3A_51 = arith.mulf %sub3A_46, %sub3A_46 : vector<128x128xf32>
      %mul3A_52 = arith.mulf %sub3A_50, %sub3A_50 : vector<128x128xf32>
      %add3A_53 = arith.addf %mul3A_51, %mul3A_52 : vector<128x128xf32>
      %mul3A_54 = arith.mulf %sub3A_48, %sub3A_48 : vector<128x128xf32>
      %add3A_55 = arith.addf %add3A_53, %mul3A_54 : vector<128x128xf32>
      %min3A = arith.minimumf %scan3A_42, %add3A_55 : vector<128x128xf32>
      %reduce_max3A = vector.shape_cast %min3A : vector<128x128xf32> to vector<1x128x128xf32>
      %reduce_max3A_56 = arith.constant dense<0xFF800000> : vector<1xf32>
      %reduce_max3A_57 = vector.multi_reduction <maximumf>, %reduce_max3A, %reduce_max3A_56 [1, 2] : vector<1x128x128xf32> to vector<1xf32>
      %reduce_max3A_58 = vector.shape_cast %reduce_max3A_57 : vector<1xf32> to vector<1x1x1xf32>
      %reduce_max3A_59 = vector.extract %reduce_max3A_58[0, 0, 0] : f32 from vector<1x1x1xf32>
      %eq3A_60 = vector.broadcast %reduce_max3A_59 : f32 to vector<128x128xf32>
      %eq3A_61 = arith.cmpf oeq, %min3A, %eq3A_60 : vector<128x128xf32>
      %broadcast_in_dim3A_62 = vector.broadcast %scan3A : i32 to vector<128x128xi32>
      %select_n3A_63 = arith.select %eq3A_61, %add3A, %broadcast_in_dim3A_62 : vector<128x128xi1>, vector<128x128xi32>
      %reduce_min3A = vector.shape_cast %select_n3A_63 : vector<128x128xi32> to vector<1x128x128xi32>
      %reduce_min3A_64 = arith.constant dense<2147483647> : vector<1xi32>
      %reduce_min3A_65 = vector.multi_reduction <minsi>, %reduce_min3A, %reduce_min3A_64 [1, 2] : vector<1x128x128xi32> to vector<1xi32>
      %reduce_min3A_66 = vector.shape_cast %reduce_min3A_65 : vector<1xi32> to vector<1x1x1xi32>
      %reduce_min3A_67 = vector.extract %reduce_min3A_66[0, 0, 0] : i32 from vector<1x1x1xi32>
      %get3A_68 = arith.index_cast %reduce_min3A_67 : i32 to index
      %get3A_69 = memref.load %arg0[%get3A_68] : memref<16384xf32, #tpu.memory_space<smem>>
      %get3A_70 = arith.index_cast %reduce_min3A_67 : i32 to index
      %get3A_71 = memref.load %arg1[%get3A_70] : memref<16384xf32, #tpu.memory_space<smem>>
      %get3A_72 = arith.index_cast %reduce_min3A_67 : i32 to index
      %get3A_73 = memref.load %arg2[%get3A_72] : memref<16384xf32, #tpu.memory_space<smem>>
      %eq3A_74 = arith.constant 0 : i32
      %eq3A_75 = vector.broadcast %eq3A_74 : i32 to vector<1x128xi32>
      %eq3A_76 = arith.cmpi eq, %iota3A_11, %eq3A_75 : vector<1x128xi32>
      %eq3A_77 = arith.constant 1 : i32
      %eq3A_78 = vector.broadcast %eq3A_77 : i32 to vector<1x128xi32>
      %eq3A_79 = arith.cmpi eq, %iota3A_11, %eq3A_78 : vector<1x128xi32>
      %eq3A_80 = arith.constant 2 : i32
      %eq3A_81 = vector.broadcast %eq3A_80 : i32 to vector<1x128xi32>
      %eq3A_82 = arith.cmpi eq, %iota3A_11, %eq3A_81 : vector<1x128xi32>
      %jit3A_83 = arith.constant 0.000000e+00 : f32
      %broadcast_in_dim3A_84 = vector.broadcast %get3A_73 : f32 to vector<1x128xf32>
      %broadcast_in_dim3A_85 = vector.broadcast %jit3A_83 : f32 to vector<1x128xf32>
      %select_n3A_86 = arith.select %eq3A_82, %broadcast_in_dim3A_84, %broadcast_in_dim3A_85 : vector<1x128xi1>, vector<1x128xf32>
      %broadcast_in_dim3A_87 = vector.broadcast %get3A_71 : f32 to vector<1x128xf32>
      %select_n3A_88 = arith.select %eq3A_79, %broadcast_in_dim3A_87, %select_n3A_86 : vector<1x128xi1>, vector<1x128xf32>
      %broadcast_in_dim3A_89 = vector.broadcast %get3A_69 : f32 to vector<1x128xf32>
      %select_n3A_90 = arith.select %eq3A_76, %broadcast_in_dim3A_89, %select_n3A_88 : vector<1x128xi1>, vector<1x128xf32>
      %swap3A_91 = arith.index_cast %scan3A_41 : i32 to index
      %swap3A_92 = arith.constant 0 : index
      %swap3A_93 = vector.load %arg6[%swap3A_91, %swap3A_92] : memref<4096x128xf32, #tpu.memory_space<vmem>>, vector<1x128xf32>
      tpu.vector_store %arg6[%swap3A_91, %swap3A_92], %select_n3A_90 {strides = array<i32>} : memref<4096x128xf32, #tpu.memory_space<vmem>>, vector<1x128xf32>,
      scf.yield %min3A, %get3A_69, %get3A_71, %get3A_73 : vector<128x128xf32>, f32, f32, f32
    }
    %scan3A_40 = arith.constant 4095 : i32
    return
  }
}

module attributes {stable_mosaic.version = 14 : i64} {
  func.func @_knn_body(%arg0: i32, %arg1: memref<256x128xf32, #tpu.memory_space<vmem>>, %arg2: memref<16384x3xf32, #tpu.memory_space<vmem>>, %arg3: memref<16384x1xf32, #tpu.memory_space<vmem>>, %arg4: memref<16x256xi32, #tpu.memory_space<vmem>>, %arg5: memref<16384x256xf32, #tpu.memory_space<vmem>>) attributes {dimension_semantics = [#tpu.dimension_semantics<arbitrary>], iteration_bounds = array<i64: 16>, scalar_prefetch = 0 : i64, scratch_operands = 1 : i64, tpu.core_type = #tpu.core_type<tc>, window_params = [{transform_indices = @transform_0, window_bounds = array<i64: 256, 128>}, {pipeline_mode = #tpu.pipeline_mode<synchronous>, transform_indices = @transform_1, window_bounds = array<i64: 16384, 3>}, {pipeline_mode = #tpu.pipeline_mode<synchronous>, transform_indices = @transform_2, window_bounds = array<i64: 16384, 1>}, {transform_indices = @transform_3, window_bounds = array<i64: 16, 256>}]} {
    %get3A = arith.constant 0 : index
    %get3A_0 = arith.constant 0 : index
    %get3A_1 = vector.load %arg1[%get3A, %get3A_0] : memref<256x128xf32, #tpu.memory_space<vmem>>, vector<256x128xf32>
    %slice3A = vector.extract_strided_slice %get3A_1 {offsets = [0, 0], sizes = [256, 3], strides = [1, 1]} : vector<256x128xf32> to vector<256x3xf32>
    %get3A_2 = arith.constant 0 : index
    %get3A_3 = arith.constant 0 : index
    %get3A_4 = vector.load %arg2[%get3A_2, %get3A_3] : memref<16384x3xf32, #tpu.memory_space<vmem>>, vector<16384x3xf32>
    %dot_general3A = arith.constant dense<0.000000e+00> : vector<16384x256xf32>
    %dot_general3A_5 = tpu.matmul %get3A_4, %slice3A, %dot_general3A {dimension_numbers = #tpu.dot_dimension_numbers<[1], [1], [0], [0], [0, 0, 1, 0], [], []>, transpose_lhs_hint = false} : vector<16384x3xf32>, vector<256x3xf32>, vector<16384x256xf32> -> vector<16384x256xf32>
    %get3A_6 = arith.constant 0 : index
    %get3A_7 = arith.constant 0 : index
    %get3A_8 = vector.load %arg3[%get3A_6, %get3A_7] : memref<16384x1xf32, #tpu.memory_space<vmem>>, vector<16384x1xf32>
    %mul3A = arith.constant 2.000000e+00 : f32
    %mul3A_9 = vector.broadcast %mul3A : f32 to vector<16384x256xf32>
    %mul3A_10 = arith.mulf %mul3A_9, %dot_general3A_5 : vector<16384x256xf32>
    %sub3A = vector.broadcast %get3A_8 : vector<16384x1xf32> to vector<16384x256xf32>
    %sub3A_11 = arith.subf %sub3A, %mul3A_10 : vector<16384x256xf32>
    %swap3A = arith.constant 0 : index
    %swap3A_12 = arith.constant 0 : index
    %swap3A_13 = vector.load %arg5[%swap3A, %swap3A_12] : memref<16384x256xf32, #tpu.memory_space<vmem>>, vector<16384x256xf32>
    tpu.vector_store %arg5[%swap3A, %swap3A_12], %sub3A_11 {strides = array<i32>} : memref<16384x256xf32, #tpu.memory_space<vmem>>, vector<16384x256xf32>,
    %iota3A = tpu.iota {dimensions = array<i32: 0>} : vector<1024x256xi32>
    %broadcast_in_dim3A = arith.constant 0xFF800000 : f32
    %broadcast_in_dim3A_14 = vector.broadcast %broadcast_in_dim3A : f32 to vector<1x256xf32>
    %broadcast_in_dim3A_15 = arith.constant -1 : i32
    %broadcast_in_dim3A_16 = vector.broadcast %broadcast_in_dim3A_15 : i32 to vector<1x256xi32>
    %scan3A = arith.constant 1073741824 : i32
    %scan3A_17 = arith.constant 0x7F800000 : f32
    %scan3A_18 = arith.constant 0 : i32
    %scan3A_19 = arith.constant 16 : i32
    %scan3A_20 = arith.addi %scan3A_18, %scan3A_19 : i32
    %scan3A_21 = arith.constant 1 : i32
    %scan3A_22:2 = scf.for %scan3A_24 = %scan3A_18 to %scan3A_20 step %scan3A_21 iter_args(%scan3A_25 = %broadcast_in_dim3A_14, %scan3A_26 = %broadcast_in_dim3A_16) -> (vector<1x256xf32>, vector<1x256xi32>)  : i32 {
      %broadcast_in_dim3A_27 = arith.constant 0x7F800000 : f32
      %broadcast_in_dim3A_28 = vector.broadcast %broadcast_in_dim3A_27 : f32 to vector<1x256xf32>
      %broadcast_in_dim3A_29 = vector.broadcast %scan3A : i32 to vector<1x256xi32>
      %scan3A_30 = arith.constant 0 : i32
      %scan3A_31 = arith.constant 16 : i32
      %scan3A_32 = arith.addi %scan3A_30, %scan3A_31 : i32
      %scan3A_33 = arith.constant 1 : i32
      %scan3A_34:2 = scf.for %scan3A_39 = %scan3A_30 to %scan3A_32 step %scan3A_33 iter_args(%scan3A_40 = %broadcast_in_dim3A_28, %scan3A_41 = %broadcast_in_dim3A_29) -> (vector<1x256xf32>, vector<1x256xi32>)  : i32 {
        %mul3A_42 = arith.constant 1024 : i32
        %mul3A_43 = arith.muli %scan3A_39, %mul3A_42 : i32
        %get3A_44 = arith.index_cast %mul3A_43 : i32 to index
        %get3A_45 = arith.constant 0 : index
        %get3A_46 = vector.load %arg5[%get3A_44, %get3A_45] : memref<16384x256xf32, #tpu.memory_space<vmem>>, vector<1024x256xf32>
        %mul3A_47 = arith.constant 1024 : i32
        %mul3A_48 = arith.muli %scan3A_39, %mul3A_47 : i32
        %add3A = vector.broadcast %mul3A_48 : i32 to vector<1024x256xi32>
        %add3A_49 = arith.addi %iota3A, %add3A : vector<1024x256xi32>
        %gt3A = vector.broadcast %scan3A_25 : vector<1x256xf32> to vector<1024x256xf32>
        %gt3A_50 = arith.cmpf ogt, %get3A_46, %gt3A : vector<1024x256xf32>
        %eq3A = vector.broadcast %scan3A_25 : vector<1x256xf32> to vector<1024x256xf32>
        %eq3A_51 = arith.cmpf oeq, %get3A_46, %eq3A : vector<1024x256xf32>
        %gt3A_52 = vector.broadcast %scan3A_26 : vector<1x256xi32> to vector<1024x256xi32>
        %gt3A_53 = arith.cmpi sgt, %add3A_49, %gt3A_52 : vector<1024x256xi32>
        %and3A = arith.andi %eq3A_51, %gt3A_53 : vector<1024x256xi1>
        %or3A = arith.ori %gt3A_50, %and3A : vector<1024x256xi1>
        %broadcast_in_dim3A_54 = vector.broadcast %scan3A_17 : f32 to vector<1024x256xf32>
        %select_n3A = arith.select %or3A, %get3A_46, %broadcast_in_dim3A_54 : vector<1024x256xi1>, vector<1024x256xf32>
        %reduce_min3A = arith.constant dense<0x7F800000> : vector<256xf32>
        %reduce_min3A_55 = vector.multi_reduction <minimumf>, %select_n3A, %reduce_min3A [0] : vector<1024x256xf32> to vector<256xf32>
        %broadcast_in_dim3A_56 = vector.shape_cast %reduce_min3A_55 : vector<256xf32> to vector<1x256xf32>
        %eq3A_57 = vector.broadcast %broadcast_in_dim3A_56 : vector<1x256xf32> to vector<1024x256xf32>
        %eq3A_58 = arith.cmpf oeq, %select_n3A, %eq3A_57 : vector<1024x256xf32>
        %broadcast_in_dim3A_59 = vector.broadcast %scan3A : i32 to vector<1024x256xi32>
        %select_n3A_60 = arith.select %eq3A_58, %add3A_49, %broadcast_in_dim3A_59 : vector<1024x256xi1>, vector<1024x256xi32>
        %reduce_min3A_61 = arith.constant dense<2147483647> : vector<256xi32>
        %reduce_min3A_62 = vector.multi_reduction <minsi>, %select_n3A_60, %reduce_min3A_61 [0] : vector<1024x256xi32> to vector<256xi32>
        %broadcast_in_dim3A_63 = vector.shape_cast %reduce_min3A_62 : vector<256xi32> to vector<1x256xi32>
        %lt3A = arith.cmpf olt, %broadcast_in_dim3A_56, %scan3A_40 : vector<1x256xf32>
        %select_n3A_64 = arith.select %lt3A, %broadcast_in_dim3A_56, %scan3A_40 : vector<1x256xi1>, vector<1x256xf32>
        %select_n3A_65 = arith.select %lt3A, %broadcast_in_dim3A_63, %scan3A_41 : vector<1x256xi1>, vector<1x256xi32>
        scf.yield %select_n3A_64, %select_n3A_65 : vector<1x256xf32>, vector<1x256xi32>
      }
      %scan3A_35 = arith.constant 16 : i32
      %swap3A_36 = arith.index_cast %scan3A_24 : i32 to index
      %swap3A_37 = arith.constant 0 : index
      %swap3A_38 = vector.load %arg4[%swap3A_36, %swap3A_37] : memref<16x256xi32, #tpu.memory_space<vmem>>, vector<1x256xi32>
      tpu.vector_store %arg4[%swap3A_36, %swap3A_37], %scan3A_34#1 {strides = array<i32>} : memref<16x256xi32, #tpu.memory_space<vmem>>, vector<1x256xi32>,
      scf.yield %scan3A_34#0, %scan3A_34#1 : vector<1x256xf32>, vector<1x256xi32>
    }
    %scan3A_23 = arith.constant 16 : i32
    return
  }
  func.func @transform_0(%arg0: i32) -> (i32, i32) {
    %c0_i32 = arith.constant 0 : i32
    %c0_i32_0 = arith.constant 0 : i32
    return %arg0, %c0_i32 : i32, i32
  }
  func.func @transform_1(%arg0: i32) -> (i32, i32) {
    %c0_i32 = arith.constant 0 : i32
    %c0_i32_0 = arith.constant 0 : i32
    %c0_i32_1 = arith.constant 0 : i32
    return %c0_i32, %c0_i32_0 : i32, i32
  }
  func.func @transform_2(%arg0: i32) -> (i32, i32) {
    %c0_i32 = arith.constant 0 : i32
    %c0_i32_0 = arith.constant 0 : i32
    %c0_i32_1 = arith.constant 0 : i32
    return %c0_i32, %c0_i32_0 : i32, i32
  }
  func.func @transform_3(%arg0: i32) -> (i32, i32) {
    %c0_i32 = arith.constant 0 : i32
    %c0_i32_0 = arith.constant 0 : i32
    return %c0_i32, %arg0 : i32, i32
  }
}

module attributes {stable_mosaic.version = 14 : i64} {
  func.func @_g_body(%arg0: memref<16384x67xf32, #tpu.memory_space<vmem>>, %arg1: memref<67x128xf32, #tpu.memory_space<vmem>>, %arg2: memref<16384x128xf32, #tpu.memory_space<vmem>>) attributes {dimension_semantics = [], scalar_prefetch = 0 : i64, scratch_operands = 0 : i64, tpu.core_type = #tpu.core_type<tc>} {
    %get3A = arith.constant 0 : index
    %get3A_0 = arith.constant 0 : index
    %get3A_1 = vector.load %arg0[%get3A, %get3A_0] : memref<16384x67xf32, #tpu.memory_space<vmem>>, vector<16384x67xf32>
    %get3A_2 = arith.constant 0 : index
    %get3A_3 = arith.constant 0 : index
    %get3A_4 = vector.load %arg1[%get3A_2, %get3A_3] : memref<67x128xf32, #tpu.memory_space<vmem>>, vector<67x128xf32>
    %dot_general3A = arith.constant dense<0.000000e+00> : vector<16384x128xf32>
    %dot_general3A_5 = tpu.matmul %get3A_1, %get3A_4, %dot_general3A {dimension_numbers = #tpu.dot_dimension_numbers<[1], [0], [0], [1], [0, 0, 1, 1], [], []>, transpose_lhs_hint = false} : vector<16384x67xf32>, vector<67x128xf32>, vector<16384x128xf32> -> vector<16384x128xf32>
    %swap3A = arith.constant 0 : index
    %swap3A_6 = arith.constant 0 : index
    %swap3A_7 = vector.load %arg2[%swap3A, %swap3A_6] : memref<16384x128xf32, #tpu.memory_space<vmem>>, vector<16384x128xf32>
    tpu.vector_store %arg2[%swap3A, %swap3A_6], %dot_general3A_5 {strides = array<i32>} : memref<16384x128xf32, #tpu.memory_space<vmem>>, vector<16384x128xf32>,
    return
  }
}

module attributes {stable_mosaic.version = 14 : i64} {
  func.func @_fin_body(%arg0: memref<4096x128xf32, #tpu.memory_space<vmem>>, %arg1: memref<3x128xf32, #tpu.memory_space<vmem>>, %arg2: memref<4096x128xf32, #tpu.memory_space<vmem>>, %arg3: memref<4096x128xf32, #tpu.memory_space<vmem>>, %arg4: memref<4096x128xf32, #tpu.memory_space<vmem>>, %arg5: memref<4096x128xf32, #tpu.memory_space<vmem>>, %arg6: memref<1x128xf32, #tpu.memory_space<vmem>>, %arg7: memref<1x128xf32, #tpu.memory_space<vmem>>, %arg8: memref<4096x128xf32, #tpu.memory_space<vmem>>) attributes {dimension_semantics = [], scalar_prefetch = 0 : i64, scratch_operands = 0 : i64, tpu.core_type = #tpu.core_type<tc>} {
    %get3A = arith.constant 0 : index
    %get3A_0 = arith.constant 0 : index
    %get3A_1 = vector.load %arg0[%get3A, %get3A_0] : memref<4096x128xf32, #tpu.memory_space<vmem>>, vector<4096x128xf32>
    %slice3A = vector.extract_strided_slice %get3A_1 {offsets = [0, 0], sizes = [4096, 3], strides = [1, 1]} : vector<4096x128xf32> to vector<4096x3xf32>
    %get3A_2 = arith.constant 0 : index
    %get3A_3 = arith.constant 0 : index
    %get3A_4 = vector.load %arg1[%get3A_2, %get3A_3] : memref<3x128xf32, #tpu.memory_space<vmem>>, vector<3x128xf32>
    %dot_general3A = arith.constant dense<0.000000e+00> : vector<4096x128xf32>
    %dot_general3A_5 = tpu.matmul %slice3A, %get3A_4, %dot_general3A {dimension_numbers = #tpu.dot_dimension_numbers<[1], [0], [0], [1], [0, 0, 1, 1], [], []>, transpose_lhs_hint = false} : vector<4096x3xf32>, vector<3x128xf32>, vector<4096x128xf32> -> vector<4096x128xf32>
    %get3A_6 = arith.constant 0 : index
    %get3A_7 = arith.constant 0 : index
    %get3A_8 = vector.load %arg2[%get3A_6, %get3A_7] : memref<4096x128xf32, #tpu.memory_space<vmem>>, vector<4096x128xf32>
    %sub3A = arith.subf %get3A_8, %dot_general3A_5 : vector<4096x128xf32>
    %get3A_9 = arith.constant 0 : index
    %get3A_10 = arith.constant 0 : index
    %get3A_11 = vector.load %arg3[%get3A_9, %get3A_10] : memref<4096x128xf32, #tpu.memory_space<vmem>>, vector<4096x128xf32>
    %sub3A_12 = arith.subf %get3A_11, %dot_general3A_5 : vector<4096x128xf32>
    %get3A_13 = arith.constant 0 : index
    %get3A_14 = arith.constant 0 : index
    %get3A_15 = vector.load %arg4[%get3A_13, %get3A_14] : memref<4096x128xf32, #tpu.memory_space<vmem>>, vector<4096x128xf32>
    %get3A_16 = arith.constant 0 : index
    %get3A_17 = arith.constant 0 : index
    %get3A_18 = vector.load %arg5[%get3A_16, %get3A_17] : memref<4096x128xf32, #tpu.memory_space<vmem>>, vector<4096x128xf32>
    %mul3A = arith.constant 1.600000e+01 : f32
    %mul3A_19 = vector.broadcast %mul3A : f32 to vector<4096x128xf32>
    %mul3A_20 = arith.mulf %mul3A_19, %dot_general3A_5 : vector<4096x128xf32>
    %sub3A_21 = arith.subf %get3A_15, %mul3A_20 : vector<4096x128xf32>
    %reduce_sum3A = arith.constant dense<0.000000e+00> : vector<128xf32>
    %reduce_sum3A_22 = vector.multi_reduction <add>, %sub3A_21, %reduce_sum3A [0] : vector<4096x128xf32> to vector<128xf32>
    %broadcast_in_dim3A = vector.shape_cast %reduce_sum3A_22 : vector<128xf32> to vector<1x128xf32>
    %div3A = arith.constant 6.553600e+04 : f32
    %div3A_23 = vector.broadcast %div3A : f32 to vector<1x128xf32>
    %div3A_24 = arith.divf %broadcast_in_dim3A, %div3A_23 : vector<1x128xf32>
    %mul3A_25 = arith.constant 2.000000e+00 : f32
    %mul3A_26 = vector.broadcast %mul3A_25 : f32 to vector<4096x128xf32>
    %mul3A_27 = arith.mulf %mul3A_26, %dot_general3A_5 : vector<4096x128xf32>
    %mul3A_28 = arith.mulf %mul3A_27, %get3A_15 : vector<4096x128xf32>
    %sub3A_29 = arith.subf %get3A_18, %mul3A_28 : vector<4096x128xf32>
    %mul3A_30 = arith.constant 1.600000e+01 : f32
    %mul3A_31 = vector.broadcast %mul3A_30 : f32 to vector<4096x128xf32>
    %mul3A_32 = arith.mulf %mul3A_31, %dot_general3A_5 : vector<4096x128xf32>
    %mul3A_33 = arith.mulf %mul3A_32, %dot_general3A_5 : vector<4096x128xf32>
    %add3A = arith.addf %sub3A_29, %mul3A_33 : vector<4096x128xf32>
    %reduce_sum3A_34 = arith.constant dense<0.000000e+00> : vector<128xf32>
    %reduce_sum3A_35 = vector.multi_reduction <add>, %add3A, %reduce_sum3A_34 [0] : vector<4096x128xf32> to vector<128xf32>
    %broadcast_in_dim3A_36 = vector.shape_cast %reduce_sum3A_35 : vector<128xf32> to vector<1x128xf32>
    %div3A_37 = arith.constant 6.553600e+04 : f32
    %div3A_38 = vector.broadcast %div3A_37 : f32 to vector<1x128xf32>
    %div3A_39 = arith.divf %broadcast_in_dim3A_36, %div3A_38 : vector<1x128xf32>
    %mul3A_40 = arith.mulf %div3A_24, %div3A_24 : vector<1x128xf32>
    %sub3A_41 = arith.subf %div3A_39, %mul3A_40 : vector<1x128xf32>
    %add3A_42 = arith.constant 9.99999974E-6 : f32
    %add3A_43 = vector.broadcast %add3A_42 : f32 to vector<1x128xf32>
    %add3A_44 = arith.addf %sub3A_41, %add3A_43 : vector<1x128xf32>
    %rsqrt3A = math.rsqrt %add3A_44 : vector<1x128xf32>
    %get3A_45 = arith.constant 0 : index
    %get3A_46 = arith.constant 0 : index
    %get3A_47 = vector.load %arg6[%get3A_45, %get3A_46] : memref<1x128xf32, #tpu.memory_space<vmem>>, vector<1x128xf32>
    %mul3A_48 = arith.mulf %get3A_47, %rsqrt3A : vector<1x128xf32>
    %get3A_49 = arith.constant 0 : index
    %get3A_50 = arith.constant 0 : index
    %get3A_51 = vector.load %arg7[%get3A_49, %get3A_50] : memref<1x128xf32, #tpu.memory_space<vmem>>, vector<1x128xf32>
    %mul3A_52 = arith.mulf %div3A_24, %mul3A_48 : vector<1x128xf32>
    %sub3A_53 = arith.subf %get3A_51, %mul3A_52 : vector<1x128xf32>
    %ge3A = arith.constant 0.000000e+00 : f32
    %ge3A_54 = vector.broadcast %ge3A : f32 to vector<1x128xf32>
    %ge3A_55 = arith.cmpf oge, %mul3A_48, %ge3A_54 : vector<1x128xf32>
    %broadcast_in_dim3A_56 = vector.shape_cast %ge3A_55 : vector<1x128xi1> to vector<1x128xi1>
    %broadcast_in_dim3A_57 = vector.broadcast %broadcast_in_dim3A_56 : vector<1x128xi1> to vector<4096x128xi1>
    %select_n3A = arith.select %broadcast_in_dim3A_57, %sub3A, %sub3A_12 : vector<4096x128xi1>, vector<4096x128xf32>
    %mul3A_58 = vector.broadcast %mul3A_48 : vector<1x128xf32> to vector<4096x128xf32>
    %mul3A_59 = arith.mulf %select_n3A, %mul3A_58 : vector<4096x128xf32>
    %add3A_60 = vector.broadcast %sub3A_53 : vector<1x128xf32> to vector<4096x128xf32>
    %add3A_61 = arith.addf %mul3A_59, %add3A_60 : vector<4096x128xf32>
    %max3A = arith.constant 0.000000e+00 : f32
    %max3A_62 = vector.broadcast %max3A : f32 to vector<4096x128xf32>
    %max3A_63 = arith.maximumf %add3A_61, %max3A_62 : vector<4096x128xf32>
    %swap3A = arith.constant 0 : index
    %swap3A_64 = arith.constant 0 : index
    %swap3A_65 = vector.load %arg8[%swap3A, %swap3A_64] : memref<4096x128xf32, #tpu.memory_space<vmem>>, vector<4096x128xf32>
    tpu.vector_store %arg8[%swap3A, %swap3A_64], %max3A_63 {strides = array<i32>} : memref<4096x128xf32, #tpu.memory_space<vmem>>, vector<4096x128xf32>,
    return
  }
}

</mosaic_0001>

<sc_bundles>
// kernel: kernel.7.cloned.1.call-start
scs
__scs_entry_jumppad:
0x0: {  	(pc) =	sbr.rel $0x88, $3  }
0x1: {  	(tag) =	ssettag $0x0;
	lr =	simm.s32 $0x1  }
0x2: {  	[smem:$0x3F9C] =	sst lr;
	_ =	strace $0xD0000000  }
0x3: {  	_ = 	snop  }
0x4: {  	_ = 	snop  }
0x5: {  	_ = 	snop  }
0x6: {  	_ = 	snop  }
0x7: {  	_ = 	snop  }
__scs_overlays_trampoline_lowered:
0x8: {  	[smem:$0x3FAB] =	sst s0  }
0x9: {  	[smem:$0x3FAC] =	sst s1  }
0xa: {  	[smem:$0x3FAD] =	sst s2  }
0xb: {  	[smem:$0x3FAE] =	sst s3  }
0xc: {  	[smem:$0x3FAF] =	sst s4  }
0xd: {  	[smem:$0x3FB0] =	sst s5  }
0xe: {  	[smem:$0x3FB1] =	sst s6  }
0xf: {  	[smem:$0x3FB2] =	sst s7  }
0x10: {  	[smem:$0x3FB3] =	sst s8  }
0x11: {  	[smem:$0x3FB4] =	sst s9;
	s0 =	simm.s32 @!p0 $0x0  }
0x12: {  	s1 =	sld [smem:$0x3F9A];
	s0 =	simm.s32 @p0 $0x1  }
0x13: {  	[smem:$0x3FB5] =	sst s0;
	s0 =	simm.s32 @!p1 $0x0  }
0x14: {  	s2 =	sld [smem:$0x3F99];
	s0 =	simm.s32 @p1 $0x1  }
0x15: {  	[smem:$0x3FB6] =	sst s0;
	s0 =	simm.s32 @!p2 $0x0  }
0x16: {  	s3 =	sld [smem:$0x3FDB];
	s0 =	simm.s32 @p2 $0x1  }
0x17: {  	s4 =	simm.s32 $0x1BF5;
	[smem:$0x3FB8] =	sst s0  }
0x18: {  	s0 =	sld [smem:$0x3F9B];
	_ =	swait.ge [sflag:s4], $0x0  }
0x19: {  	s7 =	sld [smem:$0x3F9C]  }
0x1a: {  	s8 =	sadd.s32 $0xFFFFE003, lr  }
0x1b: {  	s9 =	sadd.s32 $0xFFFFFEF7, lr;
	s5 =	simm.s32 $0xFFFFFFFF;
	p2 =	slt.u32 s8, $0xFFFFF086  }
0x1c: {  	p1 =	slt.u32 s9, $0xF7A;
	s5 =	simm.s32 @!p2 $0x0  }
0x1d: {  	s5 =	simm.s32 @p1 $0x1;
	p0 =	seq.s32 s7, s2  }
0x1e: {  	s7 =	smul.u32 @!p0 $0xF7A, s2;
	p2 =	seq.s32 @!p0 s5, $0x0  }
0x1f: {  	s9 =	smul.u32 $0xF7A, s1;
	s8 =	simm.s32 @!p0 $0x1BF5;
	p2 =	por !p2, p0  }
0x20: {  	[sflag:s8] =	ssyncset.s32 @!p0 $0xFFFFF086;
	s6 =	sadd.s32 @!p0 s3, s7;
	s7 =	simm.s32 @!p0 $0x108  }
0x21: {  	s3 =	sadd.s32 s3, s9;
	s6 =	sadd.s32 @!p0 $0x88, s6;
	s7 =	simm.s32 @p2 $0x1082  }
0x22: {  	[simem:s7], [sflag:s8] =	dma.local @!p0 [hbm:s6], $0xF7A  }
0x23: {  	s9 =	sor.u32 $0xD0000000, s2;
	s6 =	simm.s32 $0x108;
	_ =	swait.ge @!p0 [sflag:s8], $0x0  }
0x24: {  	s3 =	sadd.s32 $0x88, s3;
	s6 =	simm.s32 @!p1 $0x1082;
	[sflag:s4] =	ssyncset.s32 $0xFFFFF086  }
0x25: {  	[simem:s6], [sflag:s4] =	dma.local [hbm:s3], $0xF7A  }
0x26: {  	[smem:$0x3F9C] =	sst s1;
	(tag) =	ssettag s2;
	_ =	strace s9  }
0x27: {  	s1 =	sld [smem:$0x3FAC]  }
0x28: {  	s2 =	sld [smem:$0x3FAD]  }
0x29: {  	s4 =	sld [smem:$0x3FAF]  }
0x2a: {  	p0 =	seq.s32 s5, $0x0;
	s5 =	sld [smem:$0x3FB0]  }
0x2b: {  	s6 =	sld [smem:$0x3FB1]  }
0x2c: {  	s7 =	sld [smem:$0x3FB2]  }
0x2d: {  	s3 =	simm.s32 $0x108;
	s8 =	sld [smem:$0x3FB3]  }
0x2e: {  	s3 =	simm.s32 @!p0 $0x1082;
	s9 =	sld [smem:$0x3FB4]  }
0x2f: {  	lr =	sadd.s32 s0, s3;
	s0 =	sld [smem:$0x3FAB]  }
0x30: {  	s3 =	sld [smem:$0x3FAE]  }
0x31: {  	[smem:$0x3FB7] =	sst s10  }
0x32: {  	s10 =	sld [smem:$0x3FB5];
	_ =	sdelay $0x3  }
0x33: {  	p0 =	seq.s32 s10, $0x1;
	s10 =	sld [smem:$0x3FB7];
	_ =	sdelay $0x3  }
0x34: {  	[smem:$0x3FB7] =	sst s10  }
0x35: {  	s10 =	sld [smem:$0x3FB6];
	_ =	sdelay $0x3  }
0x36: {  	p1 =	seq.s32 s10, $0x1;
	s10 =	sld [smem:$0x3FB7];
	_ =	sdelay $0x3  }
0x37: {  	[smem:$0x3FB7] =	sst s10  }
0x38: {  	s10 =	sld [smem:$0x3FB8]  }
0x39: {  	_ = 	snop;
	(pc) =	sbr.ind lr, $3  }
0x3a: {  	_ = 	snop  }
0x3b: {  	_ = 	snop  }
0x3c: {  	p2 =	seq.s32 s10, $0x1;
	s10 =	sld [smem:$0x3FB7]  }
0x3d: {  	_ =	shalt  }
0x3e: {  	_ =	shalt  }
0x3f: {  	_ =	shalt  }
0x40: {  	_ =	shalt  }
0x41: {  	_ =	shalt  }
0x42: {  	_ =	shalt  }
0x43: {  	_ =	shalt  }
0x44: {  	_ =	shalt  }
0x45: {  	_ =	shalt  }
0x46: {  	_ =	shalt  }
0x47: {  	_ =	shalt  }
0x48: {  	_ =	shalt  }
0x49: {  	_ =	shalt  }
0x4a: {  	_ =	shalt  }
0x4b: {  	_ =	shalt  }
0x4c: {  	_ =	shalt  }
0x4d: {  	_ =	shalt  }
0x4e: {  	_ =	shalt  }
0x4f: {  	_ =	shalt  }
0x50: {  	_ =	shalt  }
0x51: {  	_ =	shalt  }
0x52: {  	_ =	shalt  }
0x53: {  	_ =	shalt  }
0x54: {  	_ =	shalt  }
0x55: {  	_ =	shalt  }
0x56: {  	_ =	shalt  }
0x57: {  	_ =	shalt  }
0x58: {  	_ =	shalt  }
0x59: {  	_ =	shalt  }
0x5a: {  	_ =	shalt  }
0x5b: {  	_ =	shalt  }
0x5c: {  	_ =	shalt  }
0x5d: {  	_ =	shalt  }
0x5e: {  	_ =	shalt  }
0x5f: {  	_ =	shalt  }
0x60: {  	_ =	shalt  }
0x61: {  	_ =	shalt  }
0x62: {  	_ =	shalt  }
0x63: {  	_ =	shalt  }
0x64: {  	_ =	shalt  }
0x65: {  	_ =	shalt  }
0x66: {  	_ =	shalt  }
0x67: {  	_ =	shalt  }
0x68: {  	_ =	shalt  }
0x69: {  	_ =	shalt  }
0x6a: {  	_ =	shalt  }
0x6b: {  	_ =	shalt  }
0x6c: {  	_ =	shalt  }
0x6d: {  	_ =	shalt  }
0x6e: {  	_ =	shalt  }
0x6f: {  	_ =	shalt  }
0x70: {  	_ =	shalt  }
0x71: {  	_ =	shalt  }
0x72: {  	_ =	shalt  }
0x73: {  	_ =	shalt  }
0x74: {  	_ =	shalt  }
0x75: {  	_ =	shalt  }
0x76: {  	_ =	shalt  }
0x77: {  	_ =	shalt  }
0x78: {  	_ =	shalt  }
0x79: {  	_ =	shalt  }
0x7a: {  	_ =	shalt  }
0x7b: {  	_ =	shalt  }
0x7c: {  	_ =	shalt  }
0x7d: {  	_ =	shalt  }
0x7e: {  	_ =	shalt  }
0x7f: {  	_ =	shalt  }
0x80: {  	_ =	shalt  }
0x81: {  	_ =	shalt  }
0x82: {  	_ =	shalt  }
0x83: {  	_ =	shalt  }
0x84: {  	_ =	shalt  }
0x85: {  	_ =	shalt  }
0x86: {  	_ =	shalt  }
0x87: {  	_ =	shalt  }
.Lfunc_end0:
.L_simem_size_0:
called_computation_lowered:
.L_overlay_start_0:
0x88: {  	s2 =	sld [smem:$0x3FD9]  }
0x89: {  	s3 =	sld [smem:$0x3FFE];
	_ =	sdelay $0x1  }
0x8a: {  	s1 =	srdreg.scid  }
0x8b: {  	s0 =	sand.u32 $0x1, s1  }
0x8c: {  	s14 =	sshll.u32 s0, $0xA;
	s2 =	sadd.s32 s3, s2  }
0x8d: {  	s2 =	sadd.s32 s2, s14  }
0x8e: {  	[smem:$0x3FC3] =	sst s2  }
0x8f: {  	_ = 	snop  }
0x90: {  	s2 =	sld [smem:$0x3FD0];
	_ =	sdelay $0x2  }
0x91: {  	s15 =	simm.s32 $0xA;
	s4 =	simm.s32 $0x10  }
0x92: {  	[smem:s4], [sflag:s15] =	dma.local [hbm:s2], $0x1  }
0x93: {  	_ =	swait.eq [sflag:s15], $0x1  }
0x94: {  	[sflag:s15] =	ssyncset.done $0x0  }
0x95: {  	[sflag:s15] =	ssyncadd.s32 $0xFFFFFFFF  }
0x96: {  	s16 =	sld [smem:$0x11];
	(tm) =	ssettm $0x1  }
0x97: {  	s17 =	sld [smem:$0x3FFB];
	_ =	sdelay $0x3  }
0x98: {  	_ =	strace s17  }
0x99: {  	s3 =	sld [smem:$0x3FFC];
	_ =	sdelay $0x3  }
0x9a: {  	_ =	strace s3  }
0x9b: {  	s3 =	sld [smem:$0x3FFD];
	_ =	sdelay $0x3  }
0x9c: {  	_ =	strace s3  }
0x9d: {  	_ =	strace $0x8FFFFFFF  }
0x9e: {  	s18 =	sld [smem:$0x3FDB];
	_ =	sdelay $0x1  }
0x9f: {  	s19 =	simm.s32 $_scs_section_size  }
0xa0: {  	s5 =	simm.s32 $_size__tile_overlayer_lowered;
	s6 =	simm.s32 $_tile_overlayer_lowered  }
0xa1: {  	s22 =	simm.s32 $0x1BFF;
	s21 =	sshll.u32 s6, $0x1;
	s3 =	sadd.s32 s19, s18  }
0xa2: {  	s7 =	simm.s32 $0x0;
	s20 =	sshll.u32 s5, $0x1;
	s5 =	sadd.s32 s21, s3  }
0xa3: {  	[timem:s7], [sflag:s22] =	dma.local [hbm:s5], s20  }
0xa4: {  	_ =	swait.ge [sflag:s22], s20  }
0xa5: {  	s4 =	ssub.s32 $0x0, s20;
	[sflag:s22] =	ssyncset.done $0x0  }
0xa6: {  	[sflag:s22] =	ssyncadd.s32 s4;
	_ =	sdelay $0x1  }
0xa7: {  	s23 =	simm.s32 $0x1B8B  }
0xa8: {  	_ =	swait.ge [sflag:s23], $0x1  }
0xa9: {  	[sflag:s23] =	ssyncset.done $0x0  }
0xaa: {  	s25 =	simm.s32 $0x1B8E;
	s24 =	sld [smem:$0x3FFE];
	[sflag:s23] =	ssyncadd.s32 $0xFFFFFFFF  }
0xab: {  	s26 =	simm.s32 $execute0_lowered;
	[smem:$0x3FD2] =	sst s25  }
0xac: {  	s5 =	sshll.u32 s26, $0x1;
	_ =	strace $0x80000046;
	[dreg:$0x1] =	wrdreg $0xFFFFFFFF  }
0xad: {  	s28 =	simm.s32 $_size_execute0_lowered;
	s3 =	sadd.s32 s3, s5;
	[dreg:$0x0] =	wrdreg $0x0  }
0xae: {  	s5 =	sshll.u32 s28, $0x1;
	[dreg:$0x2] =	wrdreg s3  }
0xaf: {  	[dreg:$0x3] =	wrdreg s5  }
0xb0: {  	[dreg:$0x4] =	wrdreg $0xC0  }
0xb1: {  	_ =	task [dreg:s7], $0x5FFFF  }
0xb2: {  	[dreg:$0x1] =	wrdreg $0xFFFFFFFF  }
0xb3: {  	[dreg:$0x0] =	wrdreg $0x60  }
0xb4: {  	[dreg:$0x2] =	wrdreg s24  }
0xb5: {  	[dreg:$0x3] =	wrdreg s16  }
0xb6: {  	[dreg:$0x4] =	wrdreg $0x9  }
0xb7: {  	_ =	task.clear_ibuf [dreg:s7], $0x5FFFF;
	_ =	strace $0x90000046  }
0xb8: {  	s29 =	simm.s32 $0x9;
	_ =	strace $0x80000048  }
0xb9: {  	_ =	swait.ge [sflag:s29], $0x1  }
0xba: {  	[sflag:s29] =	ssyncadd.s32 $0xFFFFFFFF  }
0xbb: {  	_ =	strace $0x90000048  }
0xbc: {  	_ =	sfence  }
0xbd: {  	s30 =	sld [smem:$0x0];
	_ =	sdelay $0x2  }
0xbe: {  	s31 =	sshll.u32 s1, $0xD;
	s1 =	sshrl.u32 s1, $0x2  }
0xbf: {  	s3 =	sand.u32 $0x4000, s31;
	s1 =	sadd.s32 s1, s30  }
0xc0: {  	s0 =	sor.u32 s3, s0;
	s1 =	sshll.u32 s1, $0x11  }
0xc1: {  	s0 =	sor.u32 s1, s0  }
0xc2: {  	s0 =	sadd.s32 $0x8F2B, s0  }
0xc3: {  	[sflag:s0] =	ssyncadd.remote.s32 $0x1  }
0xc4: {  	_ =	sfence.sel $0xFFFF  }
0xc5: {  	[dreg:$0x0] =	wrdreg $0xFFFFFFFF;
	(pc) =	sbr.abs _section_cstart, $3  }
0xc6: {  	[dreg:$0x1] =	wrdreg $0xFFFFFFFF  }
0xc7: {  	_ =	task.clear_ibuf [dreg:s7], $0x2FFFF;
	_ =	strace $0x9FFFFFFF  }
0xc8: {  	(tm) =	ssettm $0x7FFFFFFF  }
0xc9: {  	_ =	shalt  }
tec
execute0_lowered:
.L_overlay_start_1:
0x0: {  	(tag) =	ssettag $0x1  }
0x1: {  	s4 =	rddreg [dreg:$0x0]  }
0x2: {  	s5 =	rddreg [dreg:$0x1]  }
0x3: {  	s2 =	simm.s32 $0x0;
	s3 =	srdreg.scid;
	s1 =	stileid.u32  }
0x4: {  	s11 =	simm.s32 $0x80;
	s12 =	simm.s32 $0x1;
	s13 =	simm.s32 $0x4080  }
0x5: {  	s14 =	simm.s32 $0x8080;
	s15 =	simm.s32 $0xC080;
	s16 =	simm.s32 $0x10080  }
0x6: {  	s17 =	simm.s32 $0x0;
	s6 =	sand.u32 $0x1, s3;
	s7 =	sshll.u32 s1, $0x1  }
0x7: {  	[smem:$0x7FF] =	sst s2;
	s3 =	sadd.s32 $0x3A00, s4;
	s7 =	sor.u32 s6, s7  }
0x8: {  	_ =	strace $0x80000047;
	s6 =	ssub.s32 $0x2, s6;
	s8 =	sshll.u32 s7, $0x8  }
0x9: {  	s7 =	sshll.u32 s7, $0xB;
	s31 =	sshrl.u32 s6, $0x1;
	s8 =	sadd.s32 s8, s4  }
0xa: {  	s9 =	sadd.s32 s7, s4;
	s10 =	ssub.s32 s6, s31;
	s5 =	sadd.s32 s5, s7  }
0xb: {  	s4 =	sadd.s32 $0x1A00, s8;
	s6 =	sadd.s32 $0x43A00, s9;
	s7 =	sadd.s32 $0x53A00, s9  }
0xc: {  	s8 =	sadd.s32 $0x63A00, s9;
	s9 =	smax.u32 s10, $0x1;
	s10 =	simm.s32 $0x2  }
.LBB2_1:
0xd: {  	s18 =	simm.s32 $0x4080;
	s19 =	simm.s32 $0x8080  }
0xe: {  	s20 =	simm.s32 $0xC080;
	s21 =	simm.s32 $0x10080;
	s22 =	simm.s32 $0x0  }
.LBB2_2:
0xf: {  	s23 =	sshll.u32 s22, $0x4  }
0x10: {  	s24 =	sadd.s32 s23, s4;
	s23 =	simm.s32 $0x0  }
0x11: {  	[tilespmem:s23], [sflag:$0x2] =	stream.linear.gather [hbm4b:s24+s23], $0x80, $0x38;
	[tilespmem:$0x14080] =	vst v63  }
0x12: {  	_ =	swait.ge [sflag:s10], $0x80  }
0x13: {  	[sflag:s10] =	ssyncset.done $0x0  }
0x14: {  	[sflag:s10] =	ssyncadd.s32 $0xFFFFFF80  }
0x15: {  	[tilespmem:s11], [sflag:$0x1] =	stream.indirect.gather [hbm4b:s3+s11], $0x80, s23, s11, $0xb8;
	[tilespmem:$0x14080] =	vst v63  }
0x16: {  	s25 =	smov.u32 s18;
	_ =	swait.ge [sflag:s12], $0x4000  }
0x17: {  	s26 =	smov.u32 s19;
	s28 =	smov.u32 s20;
	[sflag:s12] =	ssyncset.done $0x0  }
0x18: {  	s29 =	smov.u32 s21;
	s24 =	simm.s32 $0x480;
	[sflag:s12] =	ssyncadd.s32 $0xFFFFC000  }
.LBB2_3:
0x19: {  	v0 =	vmov s24;
	_ =	sdelay $0x3  }
0x1a: {  	s30 =	simm.s32 $0x0  }
0x1b: {  	v1 =	vld.idx.msk [tilespmem:v0+s30+$0xFFFFFC00 ss:$0x1], $0xffff  }
0x1c: {  	v2 =	vld.idx.msk [tilespmem:v0+s30+$0xFFFFFC80 ss:$0x1], $0xffff  }
0x1d: {  	v3 =	vld.idx.msk [tilespmem:v0+s30+$0xFFFFFD00 ss:$0x1], $0xffff;
	_ =	sdelay $0x1  }
0x1e: {  	v4 =	vld.idx.msk [tilespmem:v0+s30+$0xFFFFFD80 ss:$0x1], $0xffff;
	_ =	sdelay $0x1  }
0x1f: {  	v6 =	vld.idx.msk [tilespmem:v0+s30+$0xFFFFFE00 ss:$0x1], $0xffff;
	v5 =	vmul.f32 v1, v1;
	v8 =	vadd.f32 v2, v1;
	v9 =	vmul.f32 v2, v2  }
0x20: {  	v7 =	vmax.f32 v1, v2;
	v10 =	vmul.f32 v3, v3  }
0x21: {  	v7 =	vmax.f32 v7, v3;
	v5 =	vadd.f32 v9, v5;
	v8 =	vadd.f32 v3, v8  }
0x22: {  	v11 =	vld.idx.msk [tilespmem:v0+s30+$0xFFFFFE80 ss:$0x1], $0xffff;
	v1 =	vmin.f32 v1, v2;
	v2 =	vmax.f32 v7, v4  }
0x23: {  	v7 =	vmul.f32 v4, v4;
	v5 =	vadd.f32 v10, v5;
	v8 =	vadd.f32 v4, v8  }
0x24: {  	v51 =	vld.idx.msk [tilespmem:v0+s30+$0xFFFFFF00 ss:$0x1], $0xffff;
	v1 =	vmin.f32 v1, v3;
	v3 =	vmul.f32 v6, v6  }
0x25: {  	v52 =	vld.idx.msk [tilespmem:v0+s30+$0xFFFFFF80 ss:$0x1], $0xffff;
	v1 =	vmin.f32 v1, v4;
	v4 =	vadd.f32 v7, v5;
	v5 =	vadd.f32 v6, v8  }
0x26: {  	v55 =	vld.idx.msk [tilespmem:v0+s30+$0x180 ss:$0x1], $0xffff  }
0x27: {  	v3 =	vadd.f32 v3, v4;
	v4 =	vadd.f32 v11, v5  }
0x28: {  	v2 =	vmax.f32 v2, v6;
	v1 =	vmin.f32 v1, v6;
	v7 =	vld.idx.msk [tilespmem:v0+s30+$0x0 ss:$0x1], $0xffff;
	v6 =	vmul.f32 v11, v11  }
0x29: {  	v53 =	vld.idx.msk [tilespmem:v0+s30+$0x80 ss:$0x1], $0xffff;
	v4 =	vadd.f32 v51, v4  }
0x2a: {  	v56 =	vld.idx.msk [tilespmem:v0+s30+$0x200 ss:$0x1], $0xffff;
	v54 =	vmul.f32 v51, v51;
	v3 =	vadd.f32 v6, v3  }
0x2b: {  	v58 =	vld.idx.msk [tilespmem:v0+s30+$0x300 ss:$0x1], $0xffff;
	v12 =	vmul.f32 v55, v55;
	v2 =	vmax.f32 v2, v11;
	v4 =	vadd.f32 v52, v4  }
0x2c: {  	v1 =	vmin.f32 v1, v11;
	v5 =	vld.idx.msk [tilespmem:v0+s30+$0x100 ss:$0x1], $0xffff;
	v6 =	vmul.f32 v52, v52;
	v3 =	vadd.f32 v54, v3  }
0x2d: {  	v2 =	vmax.f32 v2, v51;
	v1 =	vmin.f32 v1, v51;
	v4 =	vadd.f32 v7, v4  }
0x2e: {  	v2 =	vmax.f32 v2, v52;
	v57 =	vmul.f32 v7, v7;
	v3 =	vadd.f32 v6, v3  }
0x2f: {  	v1 =	vmin.f32 v1, v52;
	v2 =	vmax.f32 v2, v7;
	v4 =	vadd.f32 v53, v4  }
0x30: {  	v1 =	vmin.f32 v1, v7;
	v7 =	vmul.f32 v53, v53;
	v3 =	vadd.f32 v57, v3  }
0x31: {  	v61 =	vmul.f32 v56, v56;
	v8 =	vmul.f32 v58, v58;
	v6 =	vld.idx.msk [tilespmem:v0+s30+$0x280 ss:$0x1], $0xffff;
	v4 =	vadd.f32 v5, v4  }
0x32: {  	v2 =	vmax.f32 v2, v53;
	v59 =	vmul.f32 v5, v5;
	v3 =	vadd.f32 v7, v3  }
0x33: {  	v1 =	vmin.f32 v1, v53;
	v2 =	vmax.f32 v2, v5;
	v4 =	vadd.f32 v55, v4  }
0x34: {  	v1 =	vmin.f32 v1, v5;
	v2 =	vmax.f32 v2, v55;
	v3 =	vadd.f32 v59, v3  }
0x35: {  	v2 =	vmax.f32 v2, v56;
	v5 =	vmin.f32 v1, v55;
	v7 =	vld.idx.msk [tilespmem:v0+s30+$0x380 ss:$0x1], $0xffff;
	v4 =	vadd.f32 v56, v4  }
0x36: {  	v1 =	vmov s25;
	v60 =	vmax.f32 v2, v6;
	v3 =	vadd.f32 v12, v3  }
0x37: {  	v5 =	vmin.f32 v5, v56;
	v2 =	vmov s26;
	v4 =	vadd.f32 v6, v4  }
0x38: {  	v5 =	vmin.f32 v5, v6;
	v62 =	vadd.f32 v61, v3;
	v6 =	vmul.f32 v6, v6  }
0x39: {  	v9 =	vmax.f32 v60, v58;
	v3 =	vmov s28;
	v4 =	vadd.f32 v58, v4  }
0x3a: {  	v5 =	vmin.f32 v5, v58;
	v9 =	vmax.f32 v9, v7;
	v6 =	vadd.f32 v6, v62  }
0x3b: {  	v5 =	vmin.f32 v5, v7;
	v63 =	vadd.f32 v7, v4;
	v4 =	vmov s29  }
0x3c: {  	[tilespmem:v1+s30+$0x0 ss:$0x1] =	vst.idx.msk $0xffff, v9;
	v6 =	vadd.f32 v8, v6;
	v7 =	vmul.f32 v7, v7  }
0x3d: {  	[tilespmem:v2+s30+$0x0 ss:$0x1] =	vst.idx.msk $0xffff, v5  }
0x3e: {  	s31 =	simm.s32 $0x40;
	v5 =	vadd.f32 v7, v6;
	[tilespmem:v3+s30+$0x0 ss:$0x1] =	vst.idx.msk $0xffff, v63  }
.LBB2_4:
0x3f: {  	p0 =	sne.s32 s31, $0x1C0;
	s0 =	smov.u32 s31;
	s31 =	sadd.s32 $0x40, s31  }
0x40: {  	[tilespmem:v4+s30+$0x0 ss:$0x1] =	vst.idx.msk $0xffff, v5;
	s30 =	sshra.s32 s0, $0x2  }
0x41: {  	v5 =	vld.idx.msk [tilespmem:v0+s30+$0xFFFFFC00 ss:$0x1], $0xffff  }
0x42: {  	v6 =	vld.idx.msk [tilespmem:v0+s30+$0xFFFFFC80 ss:$0x1], $0xffff  }
0x43: {  	v7 =	vld.idx.msk [tilespmem:v0+s30+$0xFFFFFD00 ss:$0x1], $0xffff;
	_ =	sdelay $0x1  }
0x44: {  	v8 =	vld.idx.msk [tilespmem:v0+s30+$0xFFFFFD80 ss:$0x1], $0xffff;
	_ =	sdelay $0x1  }
0x45: {  	v9 =	vmul.f32 v5, v5;
	v10 =	vld.idx.msk [tilespmem:v0+s30+$0xFFFFFE00 ss:$0x1], $0xffff  }
0x46: {  	v11 =	vmax.f32 v5, v6;
	v12 =	vadd.f32 v6, v5;
	v13 =	vmul.f32 v6, v6  }
0x47: {  	v5 =	vmin.f32 v5, v6;
	v6 =	vmax.f32 v11, v7;
	v11 =	vmul.f32 v7, v7;
	v14 =	vld.idx.msk [tilespmem:v0+s30+$0xFFFFFE80 ss:$0x1], $0xffff  }
0x48: {  	v5 =	vmin.f32 v5, v7;
	v9 =	vadd.f32 v13, v9;
	v7 =	vadd.f32 v7, v12  }
0x49: {  	v6 =	vmax.f32 v6, v8;
	v12 =	vmul.f32 v8, v8;
	v13 =	vld.idx.msk [tilespmem:v0+s30+$0xFFFFFF00 ss:$0x1], $0xffff  }
0x4a: {  	v9 =	vadd.f32 v11, v9;
	v7 =	vadd.f32 v8, v7;
	v11 =	vld.idx.msk [tilespmem:v0+s30+$0xFFFFFF80 ss:$0x1], $0xffff  }
0x4b: {  	v6 =	vmax.f32 v6, v10;
	v15 =	vmul.f32 v10, v10;
	v16 =	vld.idx.msk [tilespmem:v0+s30+$0x0 ss:$0x1], $0xffff  }
0x4c: {  	v5 =	vmin.f32 v5, v8;
	v8 =	vadd.f32 v12, v9;
	v7 =	vadd.f32 v10, v7;
	v9 =	vld.idx.msk [tilespmem:v0+s30+$0x80 ss:$0x1], $0xffff  }
0x4d: {  	v5 =	vmin.f32 v5, v10;
	v6 =	vmax.f32 v6, v14;
	v10 =	vmul.f32 v14, v14;
	v12 =	vld.idx.msk [tilespmem:v0+s30+$0x100 ss:$0x1], $0xffff  }
0x4e: {  	v5 =	vmin.f32 v5, v14;
	v8 =	vadd.f32 v15, v8;
	v7 =	vadd.f32 v14, v7;
	v14 =	vld.idx.msk [tilespmem:v0+s30+$0x180 ss:$0x1], $0xffff  }
0x4f: {  	v6 =	vmax.f32 v6, v13;
	v5 =	vmin.f32 v5, v13;
	v15 =	vmul.f32 v13, v13;
	v17 =	vld.idx.msk [tilespmem:v0+s30+$0x200 ss:$0x1], $0xffff  }
0x50: {  	v8 =	vadd.f32 v10, v8;
	v7 =	vadd.f32 v13, v7;
	v6 =	vmax.f32 v6, v11;
	v10 =	vld.idx.msk [tilespmem:v0+s30+$0x280 ss:$0x1], $0xffff  }
0x51: {  	v5 =	vmin.f32 v5, v11;
	v13 =	vmul.f32 v11, v11;
	v6 =	vmax.f32 v6, v16;
	v18 =	vld.idx.msk [tilespmem:v0+s30+$0x300 ss:$0x1], $0xffff  }
0x52: {  	v8 =	vadd.f32 v15, v8;
	v7 =	vadd.f32 v11, v7;
	v6 =	vmax.f32 v6, v9  }
0x53: {  	v5 =	vmin.f32 v5, v16;
	v11 =	vmul.f32 v16, v16;
	v6 =	vmax.f32 v6, v12;
	v15 =	vld.idx.msk [tilespmem:v0+s30+$0x380 ss:$0x1], $0xffff  }
0x54: {  	v8 =	vadd.f32 v13, v8;
	v7 =	vadd.f32 v16, v7;
	v6 =	vmax.f32 v6, v14  }
0x55: {  	v5 =	vmin.f32 v5, v9;
	v13 =	vmul.f32 v9, v9;
	v6 =	vmax.f32 v6, v17  }
0x56: {  	v8 =	vadd.f32 v11, v8;
	v7 =	vadd.f32 v9, v7;
	v6 =	vmax.f32 v6, v10  }
0x57: {  	v5 =	vmin.f32 v5, v12;
	v9 =	vmul.f32 v12, v12;
	v6 =	vmax.f32 v6, v18  }
0x58: {  	v5 =	vmin.f32 v5, v14;
	v8 =	vadd.f32 v13, v8;
	v7 =	vadd.f32 v12, v7  }
0x59: {  	v5 =	vmin.f32 v5, v17;
	v11 =	vmul.f32 v14, v14;
	v6 =	vmax.f32 v6, v15  }
0x5a: {  	v5 =	vmin.f32 v5, v10;
	v8 =	vadd.f32 v9, v8;
	v7 =	vadd.f32 v14, v7  }
0x5b: {  	v5 =	vmin.f32 v5, v18;
	v9 =	vmul.f32 v17, v17;
	[tilespmem:v1+s30+$0x0 ss:$0x1] =	vst.idx.msk $0xffff, v6  }
0x5c: {  	v5 =	vmin.f32 v5, v15;
	v6 =	vadd.f32 v11, v8;
	v7 =	vadd.f32 v17, v7  }
0x5d: {  	[tilespmem:v2+s30+$0x0 ss:$0x1] =	vst.idx.msk $0xffff, v5  }
0x5e: {  	v5 =	vadd.f32 v9, v6;
	v6 =	vadd.f32 v10, v7;
	v7 =	vmul.f32 v10, v10;
	_ =	sdelay $0x1  }
.Ltmp0:
0x5f: {  	v5 =	vadd.f32 v7, v5;
	v6 =	vadd.f32 v18, v6;
	v7 =	vmul.f32 v18, v18;
	(pc) =	sbr.rel @p0 .LBB2_4-.Ltmp0, $3  }
0x60: {  	_ = 	snop  }
0x61: {  	v5 =	vadd.f32 v7, v5;
	v6 =	vadd.f32 v15, v6;
	v7 =	vmul.f32 v15, v15;
	_ =	sdelay $0x1  }
0x62: {  	v5 =	vadd.f32 v7, v5;
	[tilespmem:v3+s30+$0x0 ss:$0x1] =	vst.idx.msk $0xffff, v6  }
0x63: {  	s23 =	sadd.s32 $0x1, s23  }
0x64: {  	p0 =	sne.s32 s23, $0x8  }
.Ltmp1:
0x65: {  	_ = 	snop;
	(pc) =	sbr.rel @p0 .LBB2_3-.Ltmp1, $3  }
0x66: {  	_ =	sdelay $0x1  }
0x67: {  	s29 =	sadd.s32 $0x80, s29;
	s28 =	sadd.s32 $0x80, s28  }
0x68: {  	s26 =	sadd.s32 $0x80, s26;
	s25 =	sadd.s32 $0x80, s25;
	s24 =	sadd.s32 $0x800, s24;
	[tilespmem:v4+s30+$0x0 ss:$0x1] =	vst.idx.msk $0xffff, v5  }
0x69: {  	s22 =	sadd.s32 $0x1, s22  }
0x6a: {  	p0 =	sne.s32 s22, $0x10  }
.Ltmp2:
0x6b: {  	_ = 	snop;
	(pc) =	sbr.rel @p0 .LBB2_2-.Ltmp2, $3  }
0x6c: {  	_ =	sdelay $0x1  }
0x6d: {  	s21 =	sadd.s32 $0x400, s21  }
0x6e: {  	s20 =	sadd.s32 $0x400, s20;
	s19 =	sadd.s32 $0x400, s19;
	s18 =	sadd.s32 $0x400, s18  }
0x6f: {  	[hbm4b:s5+s2] =	stream.linear.scatter [tilespmem:s13], [sflag:$0x2], $0x4000, $0x38;
	[tilespmem:$0x14080] =	vst v63  }
0x70: {  	_ =	swait.ge [sflag:s10], $0x4000  }
0x71: {  	[sflag:s10] =	ssyncset.done $0x0  }
0x72: {  	[sflag:s10] =	ssyncadd.s32 $0xFFFFC000  }
0x73: {  	[hbm4b:s6+s2] =	stream.linear.scatter [tilespmem:s14], [sflag:$0x2], $0x4000, $0x38;
	[tilespmem:$0x14080] =	vst v63  }
0x74: {  	_ =	swait.ge [sflag:s10], $0x4000  }
0x75: {  	[sflag:s10] =	ssyncset.done $0x0  }
0x76: {  	[sflag:s10] =	ssyncadd.s32 $0xFFFFC000  }
0x77: {  	[hbm4b:s7+s2] =	stream.linear.scatter [tilespmem:s15], [sflag:$0x2], $0x4000, $0x38;
	[tilespmem:$0x14080] =	vst v63  }
0x78: {  	s17 =	sadd.s32 $0x1, s17;
	_ =	swait.ge [sflag:s10], $0x4000  }
0x79: {  	p0 =	sne.s32 s17, s9;
	[sflag:s10] =	ssyncset.done $0x0  }
.Ltmp3:
0x7a: {  	[sflag:s10] =	ssyncadd.s32 $0xFFFFC000;
	(pc) =	sbr.rel @p0 .LBB2_1-.Ltmp3, $4  }
0x7b: {  	[hbm4b:s8+s2] =	stream.linear.scatter [tilespmem:s16], [sflag:$0x2], $0x4000, $0x38;
	[tilespmem:$0x14080] =	vst v63  }
0x7c: {  	_ =	swait.ge [sflag:s10], $0x4000  }
0x7d: {  	[sflag:s10] =	ssyncset.done $0x0  }
0x7e: {  	[sflag:s10] =	ssyncadd.s32 $0xFFFFC000  }
0x7f: {  	_ =	sfence.sel $0x180000  }
0x80: {  	[bflag:$0x0] =	sbarrier.arrive $0xFFFF  }
0x81: {  	_ =	strace $0x90000047  }
0x82: {  	[bflag:$0x2] =	sbarrier.arrive $0xFFFF  }
0x83: {  	p0 =	sne.s32 s1, $0x0;
	s0 =	rddreg [dreg:$0x2]  }
0x84: {  	s0 =	sadd.s32 @!p0 $0x100000, s0  }
0x85: {  	[sflag:s0] =	ssyncadd.tile.s32 @!p0 $0x1;
	_ =	shalt  }
.Lfunc_end2:
_tile_overlayer_lowered:
.L_overlay_start_2:
0x86: {  	(tag) =	ssettag $0x2  }
0x87: {  	s0 =	rddreg [dreg:$0x0];
	s2 =	stileid.u32  }
0x88: {  	s1 =	rddreg [dreg:$0x1];
	p0 =	sne.s32 s2, $0x0  }
0x89: {  	s3 =	rddreg [dreg:$0x2];
	[bflag:$0x3] =	sbarrier.arrive $0xFFFF;
	s2 =	simm.s32 @!p0 $0x1C02  }
0x8a: {  	[timem:s3], [sflag:s2] =	dma.local @!p0 [hbm:s0], s1  }
0x8b: {  	s0 =	simm.s32 @!p0 $0x2  }
0x8c: {  	_ =	swait.ge @!p0 [sflag:s0], s1  }
0x8d: {  	s1 =	ssub.s32 @!p0 $0x0, s1;
	[sflag:s0] =	ssyncset.done @!p0 $0x0  }
0x8e: {  	[sflag:s0] =	ssyncadd.s32 @!p0 s1  }
0x8f: {  	[bflag:$0x3] =	sbarrier.arrive $0xFFFF  }
0x90: {  	_ =	shalt  }

</sc_bundles>
